<compile_context>
chip_gen: v7x
topology: tpu7x:2x2x1
jax: 0.10.2.dev20260603
libtpu: 0.0.44.dev20260713+nightly
codegen_flags: <defaults>
</compile_context>

<pallas_src>
import functools

import jax
import jax.numpy as jnp
from jax import lax
from jax.experimental import pallas as pl
from jax.experimental.pallas import tpu as pltpu
from jax.experimental.pallas import tpu_sc as plsc

B = 4096
N = 8192
NC = 2
NS = 16
NW = NC * NS
ROWS_PER_W = B // NW
K = 4
GROUPS = ROWS_PER_W // K
LANES = 16
HALF = N // 2
NV = HALF // LANES


def _masked_cumsum_body(x_hbm, m_hbm, out_hbm, xb, mb, ob,
                        sx0, sx1, sm0, sm1, so0, so1):
    wid = lax.axis_index("s") * NC + lax.axis_index("c")
    base = wid * ROWS_PER_W
    sx = (sx0, sx1)
    sm = (sm0, sm1)
    so = (so0, so1)

    def idx(g, h):
        return (pl.ds(base + g * K, K), pl.ds(h * HALF, HALF))

    def x_copy(g, h):
        return pltpu.make_async_copy(x_hbm.at[idx(g, h)], xb.at[h], sx[h])

    def m_copy(g, h):
        return pltpu.make_async_copy(m_hbm.at[idx(g, h)], mb.at[h], sm[h])

    def o_copy(g, h):
        return pltpu.make_async_copy(ob.at[h], out_hbm.at[idx(g, h)], so[h])

    x_copy(0, 0).start()
    m_copy(0, 0).start()

    def group(g, _):
        carries = tuple(jnp.float32(0.0) for _ in range(K))
        for h in range(2):
            x_copy(g, h).wait()
            m_copy(g, h).wait()
            if h == 0:
                x_copy(g, 1).start()
                m_copy(g, 1).start()
            else:
                @pl.when(g + 1 < GROUPS)
                def _():
                    x_copy(g + 1, 0).start()
                    m_copy(g + 1, 0).start()

            @pl.when(g > 0)
            def _(h=h):
                o_copy(g - 1, h).wait()

            def body(i, cs, h=h):
                col = pl.ds(i * LANES, LANES)
                new = []
                for k in range(K):
                    xm = xb[h, k, col] * mb[h, k, col]
                    s = plsc.cumsum(xm)
                    ob[h, k, col] = s + cs[k]
                    new.append(cs[k] + jnp.sum(xm))
                return tuple(new)

            carries = lax.fori_loop(0, NV, body, carries)
            o_copy(g, h).start()
        return 0

    lax.fori_loop(0, GROUPS, group, 0)
    for h in range(2):
        o_copy(GROUPS - 1, h).wait()


_mesh = plsc.VectorSubcoreMesh(core_axis_name="c", subcore_axis_name="s")

_masked_cumsum = functools.partial(
    pl.kernel,
    out_type=jax.ShapeDtypeStruct((B, N), jnp.float32),
    mesh=_mesh,
    compiler_params=pltpu.CompilerParams(needs_layout_passes=False),
    scratch_types=[
        pltpu.VMEM((2, K, HALF), jnp.float32),
        pltpu.VMEM((2, K, HALF), jnp.float32),
        pltpu.VMEM((2, K, HALF), jnp.float32),
        pltpu.SemaphoreType.DMA,
        pltpu.SemaphoreType.DMA,
        pltpu.SemaphoreType.DMA,
        pltpu.SemaphoreType.DMA,
        pltpu.SemaphoreType.DMA,
        pltpu.SemaphoreType.DMA,
    ],
)(_masked_cumsum_body)


def kernel(x, mask):
    return _masked_cumsum(x, mask.astype(jnp.float32))

# --- scband reference (transcript-rebuilt; emitter-appended) ---
"""Pipeline reference for scband-model-new-4810363372121 (READ-ONLY COPY).

The authoritative reference and input builder live on the scoring server;
editing this copy changes nothing except your own understanding.
"""

import jax, jax.numpy as jnp
import numpy as np

def setup_inputs(seed: int = 0) -> dict:
    key = jax.random.key(seed)
    k1, k2 = jax.random.split(key)
    x = jax.random.normal(k1, (4096, 8192), dtype=jnp.float32)
    mask = jax.random.randint(k2, (4096, 8192), 0, 2).astype(jnp.bool_)
    return {"x": x, "mask": mask}

def reference(x, mask):
    # Masked cumulative sum along dim=1: out[b, p] = sum_{i<=p} x[b, i] * mask[b, i]
    masked = jnp.where(mask, x, jnp.zeros_like(x))
    return jnp.cumsum(masked, axis=1)

if __name__ == "__main__":
    import jax
    _d = setup_inputs()
    print(jax.jit(kernel)(*tuple(_d.values())))

</pallas_src>

<mosaic_0001>
#map = affine_map<(d0, d1) -> (0, 0)>
module attributes {stable_mosaic.version = 14 : i64} {
  func.func @_masked_cumsum_body(%arg0: i32, %arg1: i32, %arg2: memref<4096x8192xf32, #tpu.memory_space<hbm>>, %arg3: memref<4096x8192xf32, #tpu.memory_space<hbm>>, %arg4: memref<4096x8192xf32, #tpu.memory_space<hbm>>, %arg5: memref<2x4x4096xf32, #tpu.memory_space<vmem>>, %arg6: memref<2x4x4096xf32, #tpu.memory_space<vmem>>, %arg7: memref<2x4x4096xf32, #tpu.memory_space<vmem>>, %arg8: memref<!tpu.dma_semaphore, #tpu.memory_space<semaphore_mem>>, %arg9: memref<!tpu.dma_semaphore, #tpu.memory_space<semaphore_mem>>, %arg10: memref<!tpu.dma_semaphore, #tpu.memory_space<semaphore_mem>>, %arg11: memref<!tpu.dma_semaphore, #tpu.memory_space<semaphore_mem>>, %arg12: memref<!tpu.dma_semaphore, #tpu.memory_space<semaphore_mem>>, %arg13: memref<!tpu.dma_semaphore, #tpu.memory_space<semaphore_mem>>) attributes {dimension_semantics = [#tpu.dimension_semantics<core_parallel>, #tpu.dimension_semantics<subcore_parallel>], iteration_bounds = array<i64: 2, 16>, scalar_prefetch = 0 : i64, scratch_operands = 9 : i64, tpu.core_type = #tpu.core_type<sc_vector_subcore>, window_params = [{transform_indices = #map}, {transform_indices = #map}, {transform_indices = #map}]} {
    %mul3A = arith.constant 2 : i32
    %mul3A_0 = arith.muli %arg1, %mul3A : i32
    %add3A = arith.addi %mul3A_0, %arg0 : i32
    %mul3A_1 = arith.constant 128 : i32
    %mul3A_2 = arith.muli %add3A, %mul3A_1 : i32
    %add3A_3 = arith.constant 0 : i32
    %add3A_4 = arith.addi %mul3A_2, %add3A_3 : i32
    %dma_start3A = arith.constant 0 : i32
    %dma_start3A_5 = arith.constant 0 : i32
    %dma_start3A_6 = arith.constant 0 : i32
    %dma_start3A_7 = tpu.memref_slice %arg5[%dma_start3A, %dma_start3A_5, %dma_start3A_6] : memref<2x4x4096xf32, #tpu.memory_space<vmem>> -> memref<1x4x4096xf32, #tpu.memory_space<vmem>>
    %dma_start3A_8 = tpu.memref_squeeze %dma_start3A_7 : memref<1x4x4096xf32, #tpu.memory_space<vmem>> -> memref<4x4096xf32, #tpu.memory_space<vmem>>
    %dma_start3A_9 = arith.constant 0 : i32
    %dma_start3A_10 = tpu.memref_slice %arg2[%add3A_4, %dma_start3A_9] : memref<4096x8192xf32, #tpu.memory_space<hbm>> -> memref<4x4096xf32, #tpu.memory_space<hbm>>
    %dma_start3A_11 = arith.constant 0 : i32
    %dma_start3A_12 = arith.constant 0 : i32
    %dma_start3A_13 = tpu.memref_slice %arg5[%dma_start3A, %dma_start3A_11, %dma_start3A_12] : memref<2x4x4096xf32, #tpu.memory_space<vmem>> -> memref<1x4x4096xf32, #tpu.memory_space<vmem>>
    %dma_start3A_14 = tpu.memref_squeeze %dma_start3A_13 : memref<1x4x4096xf32, #tpu.memory_space<vmem>> -> memref<4x4096xf32, #tpu.memory_space<vmem>>
    %dma_start3A_15 = arith.constant 0 : i32
    %dma_start3A_16 = tpu.memref_slice %arg2[%add3A_4, %dma_start3A_15] : memref<4096x8192xf32, #tpu.memory_space<hbm>> -> memref<4x4096xf32, #tpu.memory_space<hbm>>
    tpu.enqueue_dma source(%dma_start3A_16 : memref<4x4096xf32, #tpu.memory_space<hbm>>) target(%dma_start3A_14 : memref<4x4096xf32, #tpu.memory_space<vmem>>) target_semaphore(%arg8 : memref<!tpu.dma_semaphore, #tpu.memory_space<semaphore_mem>>)
    %add3A_17 = arith.constant 0 : i32
    %add3A_18 = arith.addi %mul3A_2, %add3A_17 : i32
    %dma_start3A_19 = arith.constant 0 : i32
    %dma_start3A_20 = arith.constant 0 : i32
    %dma_start3A_21 = arith.constant 0 : i32
    %dma_start3A_22 = tpu.memref_slice %arg6[%dma_start3A_19, %dma_start3A_20, %dma_start3A_21] : memref<2x4x4096xf32, #tpu.memory_space<vmem>> -> memref<1x4x4096xf32, #tpu.memory_space<vmem>>
    %dma_start3A_23 = tpu.memref_squeeze %dma_start3A_22 : memref<1x4x4096xf32, #tpu.memory_space<vmem>> -> memref<4x4096xf32, #tpu.memory_space<vmem>>
    %dma_start3A_24 = arith.constant 0 : i32
    %dma_start3A_25 = tpu.memref_slice %arg3[%add3A_18, %dma_start3A_24] : memref<4096x8192xf32, #tpu.memory_space<hbm>> -> memref<4x4096xf32, #tpu.memory_space<hbm>>
    %dma_start3A_26 = arith.constant 0 : i32
    %dma_start3A_27 = arith.constant 0 : i32
    %dma_start3A_28 = tpu.memref_slice %arg6[%dma_start3A_19, %dma_start3A_26, %dma_start3A_27] : memref<2x4x4096xf32, #tpu.memory_space<vmem>> -> memref<1x4x4096xf32, #tpu.memory_space<vmem>>
    %dma_start3A_29 = tpu.memref_squeeze %dma_start3A_28 : memref<1x4x4096xf32, #tpu.memory_space<vmem>> -> memref<4x4096xf32, #tpu.memory_space<vmem>>
    %dma_start3A_30 = arith.constant 0 : i32
    %dma_start3A_31 = tpu.memref_slice %arg3[%add3A_18, %dma_start3A_30] : memref<4096x8192xf32, #tpu.memory_space<hbm>> -> memref<4x4096xf32, #tpu.memory_space<hbm>>
    tpu.enqueue_dma source(%dma_start3A_31 : memref<4x4096xf32, #tpu.memory_space<hbm>>) target(%dma_start3A_29 : memref<4x4096xf32, #tpu.memory_space<vmem>>) target_semaphore(%arg10 : memref<!tpu.dma_semaphore, #tpu.memory_space<semaphore_mem>>)
    %scan3A = arith.constant 0 : i32
    %scan3A_32 = arith.constant 0 : i32
    %scan3A_33 = arith.constant 32 : i32
    %scan3A_34 = arith.addi %scan3A_32, %scan3A_33 : i32
    %scan3A_35 = arith.constant 1 : i32
    %scan3A_36 = scf.for %scan3A_67 = %scan3A_32 to %scan3A_34 step %scan3A_35 iter_args(%scan3A_68 = %scan3A) -> (i32)  : i32 {
      %mul3A_69 = arith.constant 4 : i32
      %mul3A_70 = arith.muli %scan3A_67, %mul3A_69 : i32
      %add3A_71 = arith.addi %mul3A_2, %mul3A_70 : i32
      %dma_wait3A_72 = arith.constant 0 : i32
      %dma_wait3A_73 = arith.constant 0 : i32
      %dma_wait3A_74 = arith.constant 0 : i32
      %dma_wait3A_75 = tpu.memref_slice %arg5[%dma_wait3A_72, %dma_wait3A_73, %dma_wait3A_74] : memref<2x4x4096xf32, #tpu.memory_space<vmem>> -> memref<1x4x4096xf32, #tpu.memory_space<vmem>>
      %dma_wait3A_76 = tpu.memref_squeeze %dma_wait3A_75 : memref<1x4x4096xf32, #tpu.memory_space<vmem>> -> memref<4x4096xf32, #tpu.memory_space<vmem>>
      %dma_wait3A_77 = arith.constant 0 : i32
      %dma_wait3A_78 = tpu.memref_slice %arg2[%add3A_71, %dma_wait3A_77] : memref<4096x8192xf32, #tpu.memory_space<hbm>> -> memref<4x4096xf32, #tpu.memory_space<hbm>>
      %dma_wait3A_79 = arith.constant 0 : i32
      %dma_wait3A_80 = arith.constant 0 : i32
      %dma_wait3A_81 = tpu.memref_slice %arg5[%dma_wait3A_72, %dma_wait3A_79, %dma_wait3A_80] : memref<2x4x4096xf32, #tpu.memory_space<vmem>> -> memref<1x4x4096xf32, #tpu.memory_space<vmem>>
      %dma_wait3A_82 = tpu.memref_squeeze %dma_wait3A_81 : memref<1x4x4096xf32, #tpu.memory_space<vmem>> -> memref<4x4096xf32, #tpu.memory_space<vmem>>
      %dma_wait3A_83 = arith.constant 0 : i32
      %dma_wait3A_84 = tpu.memref_slice %arg2[%add3A_71, %dma_wait3A_83] : memref<4096x8192xf32, #tpu.memory_space<hbm>> -> memref<4x4096xf32, #tpu.memory_space<hbm>>
      tpu.wait_dma2 semaphore(%arg8 : memref<!tpu.dma_semaphore, #tpu.memory_space<semaphore_mem>>) src(%dma_wait3A_84 : memref<4x4096xf32, #tpu.memory_space<hbm>>) dst(%dma_wait3A_82 : memref<4x4096xf32, #tpu.memory_space<vmem>>)
      %mul3A_85 = arith.constant 4 : i32
      %mul3A_86 = arith.muli %scan3A_67, %mul3A_85 : i32
      %add3A_87 = arith.addi %mul3A_2, %mul3A_86 : i32
      %dma_wait3A_88 = arith.constant 0 : i32
      %dma_wait3A_89 = arith.constant 0 : i32
      %dma_wait3A_90 = arith.constant 0 : i32
      %dma_wait3A_91 = tpu.memref_slice %arg6[%dma_wait3A_88, %dma_wait3A_89, %dma_wait3A_90] : memref<2x4x4096xf32, #tpu.memory_space<vmem>> -> memref<1x4x4096xf32, #tpu.memory_space<vmem>>
      %dma_wait3A_92 = tpu.memref_squeeze %dma_wait3A_91 : memref<1x4x4096xf32, #tpu.memory_space<vmem>> -> memref<4x4096xf32, #tpu.memory_space<vmem>>
      %dma_wait3A_93 = arith.constant 0 : i32
      %dma_wait3A_94 = tpu.memref_slice %arg3[%add3A_87, %dma_wait3A_93] : memref<4096x8192xf32, #tpu.memory_space<hbm>> -> memref<4x4096xf32, #tpu.memory_space<hbm>>
      %dma_wait3A_95 = arith.constant 0 : i32
      %dma_wait3A_96 = arith.constant 0 : i32
      %dma_wait3A_97 = tpu.memref_slice %arg6[%dma_wait3A_88, %dma_wait3A_95, %dma_wait3A_96] : memref<2x4x4096xf32, #tpu.memory_space<vmem>> -> memref<1x4x4096xf32, #tpu.memory_space<vmem>>
      %dma_wait3A_98 = tpu.memref_squeeze %dma_wait3A_97 : memref<1x4x4096xf32, #tpu.memory_space<vmem>> -> memref<4x4096xf32, #tpu.memory_space<vmem>>
      %dma_wait3A_99 = arith.constant 0 : i32
      %dma_wait3A_100 = tpu.memref_slice %arg3[%add3A_87, %dma_wait3A_99] : memref<4096x8192xf32, #tpu.memory_space<hbm>> -> memref<4x4096xf32, #tpu.memory_space<hbm>>
      tpu.wait_dma2 semaphore(%arg10 : memref<!tpu.dma_semaphore, #tpu.memory_space<semaphore_mem>>) src(%dma_wait3A_100 : memref<4x4096xf32, #tpu.memory_space<hbm>>) dst(%dma_wait3A_98 : memref<4x4096xf32, #tpu.memory_space<vmem>>)
      %mul3A_101 = arith.constant 4 : i32
      %mul3A_102 = arith.muli %scan3A_67, %mul3A_101 : i32
      %add3A_103 = arith.addi %mul3A_2, %mul3A_102 : i32
      %dma_start3A_104 = arith.constant 1 : i32
      %dma_start3A_105 = arith.constant 0 : i32
      %dma_start3A_106 = arith.constant 0 : i32
      %dma_start3A_107 = tpu.memref_slice %arg5[%dma_start3A_104, %dma_start3A_105, %dma_start3A_106] : memref<2x4x4096xf32, #tpu.memory_space<vmem>> -> memref<1x4x4096xf32, #tpu.memory_space<vmem>>
      %dma_start3A_108 = tpu.memref_squeeze %dma_start3A_107 : memref<1x4x4096xf32, #tpu.memory_space<vmem>> -> memref<4x4096xf32, #tpu.memory_space<vmem>>
      %dma_start3A_109 = arith.constant 4096 : i32
      %dma_start3A_110 = tpu.memref_slice %arg2[%add3A_103, %dma_start3A_109] : memref<4096x8192xf32, #tpu.memory_space<hbm>> -> memref<4x4096xf32, #tpu.memory_space<hbm>>
      %dma_start3A_111 = arith.constant 0 : i32
      %dma_start3A_112 = arith.constant 0 : i32
      %dma_start3A_113 = tpu.memref_slice %arg5[%dma_start3A_104, %dma_start3A_111, %dma_start3A_112] : memref<2x4x4096xf32, #tpu.memory_space<vmem>> -> memref<1x4x4096xf32, #tpu.memory_space<vmem>>
      %dma_start3A_114 = tpu.memref_squeeze %dma_start3A_113 : memref<1x4x4096xf32, #tpu.memory_space<vmem>> -> memref<4x4096xf32, #tpu.memory_space<vmem>>
      %dma_start3A_115 = arith.constant 4096 : i32
      %dma_start3A_116 = tpu.memref_slice %arg2[%add3A_103, %dma_start3A_115] : memref<4096x8192xf32, #tpu.memory_space<hbm>> -> memref<4x4096xf32, #tpu.memory_space<hbm>>
      tpu.enqueue_dma source(%dma_start3A_116 : memref<4x4096xf32, #tpu.memory_space<hbm>>) target(%dma_start3A_114 : memref<4x4096xf32, #tpu.memory_space<vmem>>) target_semaphore(%arg9 : memref<!tpu.dma_semaphore, #tpu.memory_space<semaphore_mem>>)
      %mul3A_117 = arith.constant 4 : i32
      %mul3A_118 = arith.muli %scan3A_67, %mul3A_117 : i32
      %add3A_119 = arith.addi %mul3A_2, %mul3A_118 : i32
      %dma_start3A_120 = arith.constant 1 : i32
      %dma_start3A_121 = arith.constant 0 : i32
      %dma_start3A_122 = arith.constant 0 : i32
      %dma_start3A_123 = tpu.memref_slice %arg6[%dma_start3A_120, %dma_start3A_121, %dma_start3A_122] : memref<2x4x4096xf32, #tpu.memory_space<vmem>> -> memref<1x4x4096xf32, #tpu.memory_space<vmem>>
      %dma_start3A_124 = tpu.memref_squeeze %dma_start3A_123 : memref<1x4x4096xf32, #tpu.memory_space<vmem>> -> memref<4x4096xf32, #tpu.memory_space<vmem>>
      %dma_start3A_125 = arith.constant 4096 : i32
      %dma_start3A_126 = tpu.memref_slice %arg3[%add3A_119, %dma_start3A_125] : memref<4096x8192xf32, #tpu.memory_space<hbm>> -> memref<4x4096xf32, #tpu.memory_space<hbm>>
      %dma_start3A_127 = arith.constant 0 : i32
      %dma_start3A_128 = arith.constant 0 : i32
      %dma_start3A_129 = tpu.memref_slice %arg6[%dma_start3A_120, %dma_start3A_127, %dma_start3A_128] : memref<2x4x4096xf32, #tpu.memory_space<vmem>> -> memref<1x4x4096xf32, #tpu.memory_space<vmem>>
      %dma_start3A_130 = tpu.memref_squeeze %dma_start3A_129 : memref<1x4x4096xf32, #tpu.memory_space<vmem>> -> memref<4x4096xf32, #tpu.memory_space<vmem>>
      %dma_start3A_131 = arith.constant 4096 : i32
      %dma_start3A_132 = tpu.memref_slice %arg3[%add3A_119, %dma_start3A_131] : memref<4096x8192xf32, #tpu.memory_space<hbm>> -> memref<4x4096xf32, #tpu.memory_space<hbm>>
      tpu.enqueue_dma source(%dma_start3A_132 : memref<4x4096xf32, #tpu.memory_space<hbm>>) target(%dma_start3A_130 : memref<4x4096xf32, #tpu.memory_space<vmem>>) target_semaphore(%arg11 : memref<!tpu.dma_semaphore, #tpu.memory_space<semaphore_mem>>)
      %gt3A = arith.constant 0 : i32
      %gt3A_133 = arith.cmpi sgt, %scan3A_67, %gt3A : i32
      %convert_element_type3A = arith.extui %gt3A_133 : i1 to i32
      %cond3A = arith.constant 0 : i32
      %cond3A_134 = arith.cmpi ne, %convert_element_type3A, %cond3A : i32
      scf.if %cond3A_134 {
        %sub3A = arith.constant 1 : i32
        %sub3A_227 = arith.subi %scan3A_67, %sub3A : i32
        %mul3A_228 = arith.constant 4 : i32
        %mul3A_229 = arith.muli %sub3A_227, %mul3A_228 : i32
        %add3A_230 = arith.addi %mul3A_2, %mul3A_229 : i32
        %dma_wait3A_231 = arith.constant 0 : i32
        %dma_wait3A_232 = arith.constant 0 : i32
        %dma_wait3A_233 = arith.constant 0 : i32
        %dma_wait3A_234 = tpu.memref_slice %arg7[%dma_wait3A_231, %dma_wait3A_232, %dma_wait3A_233] : memref<2x4x4096xf32, #tpu.memory_space<vmem>> -> memref<1x4x4096xf32, #tpu.memory_space<vmem>>
        %dma_wait3A_235 = tpu.memref_squeeze %dma_wait3A_234 : memref<1x4x4096xf32, #tpu.memory_space<vmem>> -> memref<4x4096xf32, #tpu.memory_space<vmem>>
        %dma_wait3A_236 = arith.constant 0 : i32
        %dma_wait3A_237 = tpu.memref_slice %arg4[%add3A_230, %dma_wait3A_236] : memref<4096x8192xf32, #tpu.memory_space<hbm>> -> memref<4x4096xf32, #tpu.memory_space<hbm>>
        %dma_wait3A_238 = arith.constant 0 : i32
        %dma_wait3A_239 = tpu.memref_slice %arg4[%add3A_230, %dma_wait3A_238] : memref<4096x8192xf32, #tpu.memory_space<hbm>> -> memref<4x4096xf32, #tpu.memory_space<hbm>>
        %dma_wait3A_240 = arith.constant 0 : i32
        %dma_wait3A_241 = arith.constant 0 : i32
        %dma_wait3A_242 = tpu.memref_slice %arg7[%dma_wait3A_231, %dma_wait3A_240, %dma_wait3A_241] : memref<2x4x4096xf32, #tpu.memory_space<vmem>> -> memref<1x4x4096xf32, #tpu.memory_space<vmem>>
        %dma_wait3A_243 = tpu.memref_squeeze %dma_wait3A_242 : memref<1x4x4096xf32, #tpu.memory_space<vmem>> -> memref<4x4096xf32, #tpu.memory_space<vmem>>
        tpu.wait_dma2 semaphore(%arg12 : memref<!tpu.dma_semaphore, #tpu.memory_space<semaphore_mem>>) src(%dma_wait3A_243 : memref<4x4096xf32, #tpu.memory_space<vmem>>) dst(%dma_wait3A_239 : memref<4x4096xf32, #tpu.memory_space<hbm>>)
      } else {
      }
      %scan3A_135 = arith.constant 0.000000e+00 : f32
      %scan3A_136 = arith.constant 0.000000e+00 : f32
      %scan3A_137 = arith.constant 0.000000e+00 : f32
      %scan3A_138 = arith.constant 0.000000e+00 : f32
      %scan3A_139 = arith.constant 0 : i32
      %scan3A_140 = arith.constant 256 : i32
      %scan3A_141 = arith.addi %scan3A_139, %scan3A_140 : i32
      %scan3A_142 = arith.constant 1 : i32
      %scan3A_143:4 = scf.for %scan3A_227 = %scan3A_139 to %scan3A_141 step %scan3A_142 iter_args(%scan3A_228 = %scan3A_135, %scan3A_229 = %scan3A_136, %scan3A_230 = %scan3A_137, %scan3A_231 = %scan3A_138) -> (f32, f32, f32, f32)  : i32 {
        %mul3A_232 = arith.constant 16 : i32
        %mul3A_233 = arith.muli %scan3A_227, %mul3A_232 : i32
        %get3A = arith.constant 0 : i32
        %get3A_234 = arith.constant 0 : i32
        %get3A_235 = arith.index_cast %get3A : i32 to index
        %get3A_236 = arith.index_cast %get3A_234 : i32 to index
        %get3A_237 = arith.index_cast %mul3A_233 : i32 to index
        %get3A_238 = tpu.vector_load %arg5[%get3A_235, %get3A_236, %get3A_237] {strides = array<i32>} : memref<2x4x4096xf32, #tpu.memory_space<vmem>>, vector<16xf32>,
        %get3A_239 = arith.constant 0 : i32
        %get3A_240 = arith.constant 0 : i32
        %get3A_241 = arith.index_cast %get3A_239 : i32 to index
        %get3A_242 = arith.index_cast %get3A_240 : i32 to index
        %get3A_243 = arith.index_cast %mul3A_233 : i32 to index
        %get3A_244 = tpu.vector_load %arg6[%get3A_241, %get3A_242, %get3A_243] {strides = array<i32>} : memref<2x4x4096xf32, #tpu.memory_space<vmem>>, vector<16xf32>,
        %mul3A_245 = arith.mulf %get3A_238, %get3A_244 : vector<16xf32>
        %broadcast_in_dim3A = arith.constant true
        %broadcast_in_dim3A_246 = vector.broadcast %broadcast_in_dim3A : i1 to vector<16xi1>
        %masked_cumsum3A = tpu.scan <sum>, %mul3A_245 masked %broadcast_in_dim3A_246 : vector<16xf32>, vector<16xi1> -> vector<16xf32>
        %add3A_247 = vector.broadcast %scan3A_228 : f32 to vector<16xf32>
        %add3A_248 = arith.addf %masked_cumsum3A, %add3A_247 : vector<16xf32>
        %swap3A = arith.constant 0 : i32
        %swap3A_249 = arith.constant 0 : i32
        %swap3A_250 = arith.index_cast %swap3A : i32 to index
        %swap3A_251 = arith.index_cast %swap3A_249 : i32 to index
        %swap3A_252 = arith.index_cast %mul3A_233 : i32 to index
        %swap3A_253 = tpu.vector_load %arg7[%swap3A_250, %swap3A_251, %swap3A_252] {strides = array<i32>} : memref<2x4x4096xf32, #tpu.memory_space<vmem>>, vector<16xf32>,
        tpu.vector_store %arg7[%swap3A_250, %swap3A_251, %swap3A_252], %add3A_248 {strides = array<i32>} : memref<2x4x4096xf32, #tpu.memory_space<vmem>>, vector<16xf32>,
        %reduce_sum3A = arith.constant true
        %reduce_sum3A_254 = vector.broadcast %reduce_sum3A : i1 to vector<16xi1>
        %reduce_sum3A_255 = tpu.scan <sum>, %mul3A_245 masked %reduce_sum3A_254 : vector<16xf32>, vector<16xi1> -> vector<16xf32>
        %reduce_sum3A_256 = vector.extract %reduce_sum3A_255[15] : f32 from vector<16xf32>
        %add3A_257 = arith.addf %scan3A_228, %reduce_sum3A_256 : f32
        %get3A_258 = arith.constant 0 : i32
        %get3A_259 = arith.constant 1 : i32
        %get3A_260 = arith.index_cast %get3A_258 : i32 to index
        %get3A_261 = arith.index_cast %get3A_259 : i32 to index
        %get3A_262 = arith.index_cast %mul3A_233 : i32 to index
        %get3A_263 = tpu.vector_load %arg5[%get3A_260, %get3A_261, %get3A_262] {strides = array<i32>} : memref<2x4x4096xf32, #tpu.memory_space<vmem>>, vector<16xf32>,
        %get3A_264 = arith.constant 0 : i32
        %get3A_265 = arith.constant 1 : i32
        %get3A_266 = arith.index_cast %get3A_264 : i32 to index
        %get3A_267 = arith.index_cast %get3A_265 : i32 to index
        %get3A_268 = arith.index_cast %mul3A_233 : i32 to index
        %get3A_269 = tpu.vector_load %arg6[%get3A_266, %get3A_267, %get3A_268] {strides = array<i32>} : memref<2x4x4096xf32, #tpu.memory_space<vmem>>, vector<16xf32>,
        %mul3A_270 = arith.mulf %get3A_263, %get3A_269 : vector<16xf32>
        %broadcast_in_dim3A_271 = arith.constant true
        %broadcast_in_dim3A_272 = vector.broadcast %broadcast_in_dim3A_271 : i1 to vector<16xi1>
        %masked_cumsum3A_273 = tpu.scan <sum>, %mul3A_270 masked %broadcast_in_dim3A_272 : vector<16xf32>, vector<16xi1> -> vector<16xf32>
        %add3A_274 = vector.broadcast %scan3A_229 : f32 to vector<16xf32>
        %add3A_275 = arith.addf %masked_cumsum3A_273, %add3A_274 : vector<16xf32>
        %swap3A_276 = arith.constant 0 : i32
        %swap3A_277 = arith.constant 1 : i32
        %swap3A_278 = arith.index_cast %swap3A_276 : i32 to index
        %swap3A_279 = arith.index_cast %swap3A_277 : i32 to index
        %swap3A_280 = arith.index_cast %mul3A_233 : i32 to index
        %swap3A_281 = tpu.vector_load %arg7[%swap3A_278, %swap3A_279, %swap3A_280] {strides = array<i32>} : memref<2x4x4096xf32, #tpu.memory_space<vmem>>, vector<16xf32>,
        tpu.vector_store %arg7[%swap3A_278, %swap3A_279, %swap3A_280], %add3A_275 {strides = array<i32>} : memref<2x4x4096xf32, #tpu.memory_space<vmem>>, vector<16xf32>,
        %reduce_sum3A_282 = arith.constant true
        %reduce_sum3A_283 = vector.broadcast %reduce_sum3A_282 : i1 to vector<16xi1>
        %reduce_sum3A_284 = tpu.scan <sum>, %mul3A_270 masked %reduce_sum3A_283 : vector<16xf32>, vector<16xi1> -> vector<16xf32>
        %reduce_sum3A_285 = vector.extract %reduce_sum3A_284[15] : f32 from vector<16xf32>
        %add3A_286 = arith.addf %scan3A_229, %reduce_sum3A_285 : f32
        %get3A_287 = arith.constant 0 : i32
        %get3A_288 = arith.constant 2 : i32
        %get3A_289 = arith.index_cast %get3A_287 : i32 to index
        %get3A_290 = arith.index_cast %get3A_288 : i32 to index
        %get3A_291 = arith.index_cast %mul3A_233 : i32 to index
        %get3A_292 = tpu.vector_load %arg5[%get3A_289, %get3A_290, %get3A_291] {strides = array<i32>} : memref<2x4x4096xf32, #tpu.memory_space<vmem>>, vector<16xf32>,
        %get3A_293 = arith.constant 0 : i32
        %get3A_294 = arith.constant 2 : i32
        %get3A_295 = arith.index_cast %get3A_293 : i32 to index
        %get3A_296 = arith.index_cast %get3A_294 : i32 to index
        %get3A_297 = arith.index_cast %mul3A_233 : i32 to index
        %get3A_298 = tpu.vector_load %arg6[%get3A_295, %get3A_296, %get3A_297] {strides = array<i32>} : memref<2x4x4096xf32, #tpu.memory_space<vmem>>, vector<16xf32>,
        %mul3A_299 = arith.mulf %get3A_292, %get3A_298 : vector<16xf32>
        %broadcast_in_dim3A_300 = arith.constant true
        %broadcast_in_dim3A_301 = vector.broadcast %broadcast_in_dim3A_300 : i1 to vector<16xi1>
        %masked_cumsum3A_302 = tpu.scan <sum>, %mul3A_299 masked %broadcast_in_dim3A_301 : vector<16xf32>, vector<16xi1> -> vector<16xf32>
        %add3A_303 = vector.broadcast %scan3A_230 : f32 to vector<16xf32>
        %add3A_304 = arith.addf %masked_cumsum3A_302, %add3A_303 : vector<16xf32>
        %swap3A_305 = arith.constant 0 : i32
        %swap3A_306 = arith.constant 2 : i32
        %swap3A_307 = arith.index_cast %swap3A_305 : i32 to index
        %swap3A_308 = arith.index_cast %swap3A_306 : i32 to index
        %swap3A_309 = arith.index_cast %mul3A_233 : i32 to index
        %swap3A_310 = tpu.vector_load %arg7[%swap3A_307, %swap3A_308, %swap3A_309] {strides = array<i32>} : memref<2x4x4096xf32, #tpu.memory_space<vmem>>, vector<16xf32>,
        tpu.vector_store %arg7[%swap3A_307, %swap3A_308, %swap3A_309], %add3A_304 {strides = array<i32>} : memref<2x4x4096xf32, #tpu.memory_space<vmem>>, vector<16xf32>,
        %reduce_sum3A_311 = arith.constant true
        %reduce_sum3A_312 = vector.broadcast %reduce_sum3A_311 : i1 to vector<16xi1>
        %reduce_sum3A_313 = tpu.scan <sum>, %mul3A_299 masked %reduce_sum3A_312 : vector<16xf32>, vector<16xi1> -> vector<16xf32>
        %reduce_sum3A_314 = vector.extract %reduce_sum3A_313[15] : f32 from vector<16xf32>
        %add3A_315 = arith.addf %scan3A_230, %reduce_sum3A_314 : f32
        %get3A_316 = arith.constant 0 : i32
        %get3A_317 = arith.constant 3 : i32
        %get3A_318 = arith.index_cast %get3A_316 : i32 to index
        %get3A_319 = arith.index_cast %get3A_317 : i32 to index
        %get3A_320 = arith.index_cast %mul3A_233 : i32 to index
        %get3A_321 = tpu.vector_load %arg5[%get3A_318, %get3A_319, %get3A_320] {strides = array<i32>} : memref<2x4x4096xf32, #tpu.memory_space<vmem>>, vector<16xf32>,
        %get3A_322 = arith.constant 0 : i32
        %get3A_323 = arith.constant 3 : i32
        %get3A_324 = arith.index_cast %get3A_322 : i32 to index
        %get3A_325 = arith.index_cast %get3A_323 : i32 to index
        %get3A_326 = arith.index_cast %mul3A_233 : i32 to index
        %get3A_327 = tpu.vector_load %arg6[%get3A_324, %get3A_325, %get3A_326] {strides = array<i32>} : memref<2x4x4096xf32, #tpu.memory_space<vmem>>, vector<16xf32>,
        %mul3A_328 = arith.mulf %get3A_321, %get3A_327 : vector<16xf32>
        %broadcast_in_dim3A_329 = arith.constant true
        %broadcast_in_dim3A_330 = vector.broadcast %broadcast_in_dim3A_329 : i1 to vector<16xi1>
        %masked_cumsum3A_331 = tpu.scan <sum>, %mul3A_328 masked %broadcast_in_dim3A_330 : vector<16xf32>, vector<16xi1> -> vector<16xf32>
        %add3A_332 = vector.broadcast %scan3A_231 : f32 to vector<16xf32>
        %add3A_333 = arith.addf %masked_cumsum3A_331, %add3A_332 : vector<16xf32>
        %swap3A_334 = arith.constant 0 : i32
        %swap3A_335 = arith.constant 3 : i32
        %swap3A_336 = arith.index_cast %swap3A_334 : i32 to index
        %swap3A_337 = arith.index_cast %swap3A_335 : i32 to index
        %swap3A_338 = arith.index_cast %mul3A_233 : i32 to index
        %swap3A_339 = tpu.vector_load %arg7[%swap3A_336, %swap3A_337, %swap3A_338] {strides = array<i32>} : memref<2x4x4096xf32, #tpu.memory_space<vmem>>, vector<16xf32>,
        tpu.vector_store %arg7[%swap3A_336, %swap3A_337, %swap3A_338], %add3A_333 {strides = array<i32>} : memref<2x4x4096xf32, #tpu.memory_space<vmem>>, vector<16xf32>,
        %reduce_sum3A_340 = arith.constant true
        %reduce_sum3A_341 = vector.broadcast %reduce_sum3A_340 : i1 to vector<16xi1>
        %reduce_sum3A_342 = tpu.scan <sum>, %mul3A_328 masked %reduce_sum3A_341 : vector<16xf32>, vector<16xi1> -> vector<16xf32>
        %reduce_sum3A_343 = vector.extract %reduce_sum3A_342[15] : f32 from vector<16xf32>
        %add3A_344 = arith.addf %scan3A_231, %reduce_sum3A_343 : f32
        scf.yield %add3A_257, %add3A_286, %add3A_315, %add3A_344 : f32, f32, f32, f32
      }
      %scan3A_144 = arith.constant 256 : i32
      %mul3A_145 = arith.constant 4 : i32
      %mul3A_146 = arith.muli %scan3A_67, %mul3A_145 : i32
      %add3A_147 = arith.addi %mul3A_2, %mul3A_146 : i32
      %dma_start3A_148 = arith.constant 0 : i32
      %dma_start3A_149 = arith.constant 0 : i32
      %dma_start3A_150 = arith.constant 0 : i32
      %dma_start3A_151 = tpu.memref_slice %arg7[%dma_start3A_148, %dma_start3A_149, %dma_start3A_150] : memref<2x4x4096xf32, #tpu.memory_space<vmem>> -> memref<1x4x4096xf32, #tpu.memory_space<vmem>>
      %dma_start3A_152 = tpu.memref_squeeze %dma_start3A_151 : memref<1x4x4096xf32, #tpu.memory_space<vmem>> -> memref<4x4096xf32, #tpu.memory_space<vmem>>
      %dma_start3A_153 = arith.constant 0 : i32
      %dma_start3A_154 = tpu.memref_slice %arg4[%add3A_147, %dma_start3A_153] : memref<4096x8192xf32, #tpu.memory_space<hbm>> -> memref<4x4096xf32, #tpu.memory_space<hbm>>
      %dma_start3A_155 = arith.constant 0 : i32
      %dma_start3A_156 = tpu.memref_slice %arg4[%add3A_147, %dma_start3A_155] : memref<4096x8192xf32, #tpu.memory_space<hbm>> -> memref<4x4096xf32, #tpu.memory_space<hbm>>
      %dma_start3A_157 = arith.constant 0 : i32
      %dma_start3A_158 = arith.constant 0 : i32
      %dma_start3A_159 = tpu.memref_slice %arg7[%dma_start3A_148, %dma_start3A_157, %dma_start3A_158] : memref<2x4x4096xf32, #tpu.memory_space<vmem>> -> memref<1x4x4096xf32, #tpu.memory_space<vmem>>
      %dma_start3A_160 = tpu.memref_squeeze %dma_start3A_159 : memref<1x4x4096xf32, #tpu.memory_space<vmem>> -> memref<4x4096xf32, #tpu.memory_space<vmem>>
      tpu.enqueue_dma source(%dma_start3A_160 : memref<4x4096xf32, #tpu.memory_space<vmem>>) target(%dma_start3A_156 : memref<4x4096xf32, #tpu.memory_space<hbm>>) target_semaphore(%arg12 : memref<!tpu.dma_semaphore, #tpu.memory_space<semaphore_mem>>)
      %mul3A_161 = arith.constant 4 : i32
      %mul3A_162 = arith.muli %scan3A_67, %mul3A_161 : i32
      %add3A_163 = arith.addi %mul3A_2, %mul3A_162 : i32
      %dma_wait3A_164 = arith.constant 1 : i32
      %dma_wait3A_165 = arith.constant 0 : i32
      %dma_wait3A_166 = arith.constant 0 : i32
      %dma_wait3A_167 = tpu.memref_slice %arg5[%dma_wait3A_164, %dma_wait3A_165, %dma_wait3A_166] : memref<2x4x4096xf32, #tpu.memory_space<vmem>> -> memref<1x4x4096xf32, #tpu.memory_space<vmem>>
      %dma_wait3A_168 = tpu.memref_squeeze %dma_wait3A_167 : memref<1x4x4096xf32, #tpu.memory_space<vmem>> -> memref<4x4096xf32, #tpu.memory_space<vmem>>
      %dma_wait3A_169 = arith.constant 4096 : i32
      %dma_wait3A_170 = tpu.memref_slice %arg2[%add3A_163, %dma_wait3A_169] : memref<4096x8192xf32, #tpu.memory_space<hbm>> -> memref<4x4096xf32, #tpu.memory_space<hbm>>
      %dma_wait3A_171 = arith.constant 0 : i32
      %dma_wait3A_172 = arith.constant 0 : i32
      %dma_wait3A_173 = tpu.memref_slice %arg5[%dma_wait3A_164, %dma_wait3A_171, %dma_wait3A_172] : memref<2x4x4096xf32, #tpu.memory_space<vmem>> -> memref<1x4x4096xf32, #tpu.memory_space<vmem>>
      %dma_wait3A_174 = tpu.memref_squeeze %dma_wait3A_173 : memref<1x4x4096xf32, #tpu.memory_space<vmem>> -> memref<4x4096xf32, #tpu.memory_space<vmem>>
      %dma_wait3A_175 = arith.constant 4096 : i32
      %dma_wait3A_176 = tpu.memref_slice %arg2[%add3A_163, %dma_wait3A_175] : memref<4096x8192xf32, #tpu.memory_space<hbm>> -> memref<4x4096xf32, #tpu.memory_space<hbm>>
      tpu.wait_dma2 semaphore(%arg9 : memref<!tpu.dma_semaphore, #tpu.memory_space<semaphore_mem>>) src(%dma_wait3A_176 : memref<4x4096xf32, #tpu.memory_space<hbm>>) dst(%dma_wait3A_174 : memref<4x4096xf32, #tpu.memory_space<vmem>>)
      %mul3A_177 = arith.constant 4 : i32
      %mul3A_178 = arith.muli %scan3A_67, %mul3A_177 : i32
      %add3A_179 = arith.addi %mul3A_2, %mul3A_178 : i32
      %dma_wait3A_180 = arith.constant 1 : i32
      %dma_wait3A_181 = arith.constant 0 : i32
      %dma_wait3A_182 = arith.constant 0 : i32
      %dma_wait3A_183 = tpu.memref_slice %arg6[%dma_wait3A_180, %dma_wait3A_181, %dma_wait3A_182] : memref<2x4x4096xf32, #tpu.memory_space<vmem>> -> memref<1x4x4096xf32, #tpu.memory_space<vmem>>
      %dma_wait3A_184 = tpu.memref_squeeze %dma_wait3A_183 : memref<1x4x4096xf32, #tpu.memory_space<vmem>> -> memref<4x4096xf32, #tpu.memory_space<vmem>>
      %dma_wait3A_185 = arith.constant 4096 : i32
      %dma_wait3A_186 = tpu.memref_slice %arg3[%add3A_179, %dma_wait3A_185] : memref<4096x8192xf32, #tpu.memory_space<hbm>> -> memref<4x4096xf32, #tpu.memory_space<hbm>>
      %dma_wait3A_187 = arith.constant 0 : i32
      %dma_wait3A_188 = arith.constant 0 : i32
      %dma_wait3A_189 = tpu.memref_slice %arg6[%dma_wait3A_180, %dma_wait3A_187, %dma_wait3A_188] : memref<2x4x4096xf32, #tpu.memory_space<vmem>> -> memref<1x4x4096xf32, #tpu.memory_space<vmem>>
      %dma_wait3A_190 = tpu.memref_squeeze %dma_wait3A_189 : memref<1x4x4096xf32, #tpu.memory_space<vmem>> -> memref<4x4096xf32, #tpu.memory_space<vmem>>
      %dma_wait3A_191 = arith.constant 4096 : i32
      %dma_wait3A_192 = tpu.memref_slice %arg3[%add3A_179, %dma_wait3A_191] : memref<4096x8192xf32, #tpu.memory_space<hbm>> -> memref<4x4096xf32, #tpu.memory_space<hbm>>
      tpu.wait_dma2 semaphore(%arg11 : memref<!tpu.dma_semaphore, #tpu.memory_space<semaphore_mem>>) src(%dma_wait3A_192 : memref<4x4096xf32, #tpu.memory_space<hbm>>) dst(%dma_wait3A_190 : memref<4x4096xf32, #tpu.memory_space<vmem>>)
      %add3A_193 = arith.constant 1 : i32
      %add3A_194 = arith.addi %scan3A_67, %add3A_193 : i32
      %lt3A = arith.constant 32 : i32
      %lt3A_195 = arith.cmpi slt, %add3A_194, %lt3A : i32
      %convert_element_type3A_196 = arith.extui %lt3A_195 : i1 to i32
      %cond3A_197 = arith.constant 0 : i32
      %cond3A_198 = arith.cmpi ne, %convert_element_type3A_196, %cond3A_197 : i32
      scf.if %cond3A_198 {
        %add3A_227 = arith.constant 1 : i32
        %add3A_228 = arith.addi %scan3A_67, %add3A_227 : i32
        %mul3A_229 = arith.constant 4 : i32
        %mul3A_230 = arith.muli %add3A_228, %mul3A_229 : i32
        %add3A_231 = arith.addi %mul3A_2, %mul3A_230 : i32
        %dma_start3A_232 = arith.constant 0 : i32
        %dma_start3A_233 = arith.constant 0 : i32
        %dma_start3A_234 = arith.constant 0 : i32
        %dma_start3A_235 = tpu.memref_slice %arg5[%dma_start3A_232, %dma_start3A_233, %dma_start3A_234] : memref<2x4x4096xf32, #tpu.memory_space<vmem>> -> memref<1x4x4096xf32, #tpu.memory_space<vmem>>
        %dma_start3A_236 = tpu.memref_squeeze %dma_start3A_235 : memref<1x4x4096xf32, #tpu.memory_space<vmem>> -> memref<4x4096xf32, #tpu.memory_space<vmem>>
        %dma_start3A_237 = arith.constant 0 : i32
        %dma_start3A_238 = tpu.memref_slice %arg2[%add3A_231, %dma_start3A_237] : memref<4096x8192xf32, #tpu.memory_space<hbm>> -> memref<4x4096xf32, #tpu.memory_space<hbm>>
        %dma_start3A_239 = arith.constant 0 : i32
        %dma_start3A_240 = arith.constant 0 : i32
        %dma_start3A_241 = tpu.memref_slice %arg5[%dma_start3A_232, %dma_start3A_239, %dma_start3A_240] : memref<2x4x4096xf32, #tpu.memory_space<vmem>> -> memref<1x4x4096xf32, #tpu.memory_space<vmem>>
        %dma_start3A_242 = tpu.memref_squeeze %dma_start3A_241 : memref<1x4x4096xf32, #tpu.memory_space<vmem>> -> memref<4x4096xf32, #tpu.memory_space<vmem>>
        %dma_start3A_243 = arith.constant 0 : i32
        %dma_start3A_244 = tpu.memref_slice %arg2[%add3A_231, %dma_start3A_243] : memref<4096x8192xf32, #tpu.memory_space<hbm>> -> memref<4x4096xf32, #tpu.memory_space<hbm>>
        tpu.enqueue_dma source(%dma_start3A_244 : memref<4x4096xf32, #tpu.memory_space<hbm>>) target(%dma_start3A_242 : memref<4x4096xf32, #tpu.memory_space<vmem>>) target_semaphore(%arg8 : memref<!tpu.dma_semaphore, #tpu.memory_space<semaphore_mem>>)
        %add3A_245 = arith.constant 1 : i32
        %add3A_246 = arith.addi %scan3A_67, %add3A_245 : i32
        %mul3A_247 = arith.constant 4 : i32
        %mul3A_248 = arith.muli %add3A_246, %mul3A_247 : i32
        %add3A_249 = arith.addi %mul3A_2, %mul3A_248 : i32
        %dma_start3A_250 = arith.constant 0 : i32
        %dma_start3A_251 = arith.constant 0 : i32
        %dma_start3A_252 = arith.constant 0 : i32
        %dma_start3A_253 = tpu.memref_slice %arg6[%dma_start3A_250, %dma_start3A_251, %dma_start3A_252] : memref<2x4x4096xf32, #tpu.memory_space<vmem>> -> memref<1x4x4096xf32, #tpu.memory_space<vmem>>
        %dma_start3A_254 = tpu.memref_squeeze %dma_start3A_253 : memref<1x4x4096xf32, #tpu.memory_space<vmem>> -> memref<4x4096xf32, #tpu.memory_space<vmem>>
        %dma_start3A_255 = arith.constant 0 : i32
        %dma_start3A_256 = tpu.memref_slice %arg3[%add3A_249, %dma_start3A_255] : memref<4096x8192xf32, #tpu.memory_space<hbm>> -> memref<4x4096xf32, #tpu.memory_space<hbm>>
        %dma_start3A_257 = arith.constant 0 : i32
        %dma_start3A_258 = arith.constant 0 : i32
        %dma_start3A_259 = tpu.memref_slice %arg6[%dma_start3A_250, %dma_start3A_257, %dma_start3A_258] : memref<2x4x4096xf32, #tpu.memory_space<vmem>> -> memref<1x4x4096xf32, #tpu.memory_space<vmem>>
        %dma_start3A_260 = tpu.memref_squeeze %dma_start3A_259 : memref<1x4x4096xf32, #tpu.memory_space<vmem>> -> memref<4x4096xf32, #tpu.memory_space<vmem>>
        %dma_start3A_261 = arith.constant 0 : i32
        %dma_start3A_262 = tpu.memref_slice %arg3[%add3A_249, %dma_start3A_261] : memref<4096x8192xf32, #tpu.memory_space<hbm>> -> memref<4x4096xf32, #tpu.memory_space<hbm>>
        tpu.enqueue_dma source(%dma_start3A_262 : memref<4x4096xf32, #tpu.memory_space<hbm>>) target(%dma_start3A_260 : memref<4x4096xf32, #tpu.memory_space<vmem>>) target_semaphore(%arg10 : memref<!tpu.dma_semaphore, #tpu.memory_space<semaphore_mem>>)
      } else {
      }
      %gt3A_199 = arith.constant 0 : i32
      %gt3A_200 = arith.cmpi sgt, %scan3A_67, %gt3A_199 : i32
      %convert_element_type3A_201 = arith.extui %gt3A_200 : i1 to i32
      %cond3A_202 = arith.constant 0 : i32
      %cond3A_203 = arith.cmpi ne, %convert_element_type3A_201, %cond3A_202 : i32
      scf.if %cond3A_203 {
        %sub3A = arith.constant 1 : i32
        %sub3A_227 = arith.subi %scan3A_67, %sub3A : i32
        %mul3A_228 = arith.constant 4 : i32
        %mul3A_229 = arith.muli %sub3A_227, %mul3A_228 : i32
        %add3A_230 = arith.addi %mul3A_2, %mul3A_229 : i32
        %dma_wait3A_231 = arith.constant 1 : i32
        %dma_wait3A_232 = arith.constant 0 : i32
        %dma_wait3A_233 = arith.constant 0 : i32
        %dma_wait3A_234 = tpu.memref_slice %arg7[%dma_wait3A_231, %dma_wait3A_232, %dma_wait3A_233] : memref<2x4x4096xf32, #tpu.memory_space<vmem>> -> memref<1x4x4096xf32, #tpu.memory_space<vmem>>
        %dma_wait3A_235 = tpu.memref_squeeze %dma_wait3A_234 : memref<1x4x4096xf32, #tpu.memory_space<vmem>> -> memref<4x4096xf32, #tpu.memory_space<vmem>>
        %dma_wait3A_236 = arith.constant 4096 : i32
        %dma_wait3A_237 = tpu.memref_slice %arg4[%add3A_230, %dma_wait3A_236] : memref<4096x8192xf32, #tpu.memory_space<hbm>> -> memref<4x4096xf32, #tpu.memory_space<hbm>>
        %dma_wait3A_238 = arith.constant 4096 : i32
        %dma_wait3A_239 = tpu.memref_slice %arg4[%add3A_230, %dma_wait3A_238] : memref<4096x8192xf32, #tpu.memory_space<hbm>> -> memref<4x4096xf32, #tpu.memory_space<hbm>>
        %dma_wait3A_240 = arith.constant 0 : i32
        %dma_wait3A_241 = arith.constant 0 : i32
        %dma_wait3A_242 = tpu.memref_slice %arg7[%dma_wait3A_231, %dma_wait3A_240, %dma_wait3A_241] : memref<2x4x4096xf32, #tpu.memory_space<vmem>> -> memref<1x4x4096xf32, #tpu.memory_space<vmem>>
        %dma_wait3A_243 = tpu.memref_squeeze %dma_wait3A_242 : memref<1x4x4096xf32, #tpu.memory_space<vmem>> -> memref<4x4096xf32, #tpu.memory_space<vmem>>
        tpu.wait_dma2 semaphore(%arg13 : memref<!tpu.dma_semaphore, #tpu.memory_space<semaphore_mem>>) src(%dma_wait3A_243 : memref<4x4096xf32, #tpu.memory_space<vmem>>) dst(%dma_wait3A_239 : memref<4x4096xf32, #tpu.memory_space<hbm>>)
      } else {
      }
      %scan3A_204 = arith.constant 0 : i32
      %scan3A_205 = arith.constant 256 : i32
      %scan3A_206 = arith.addi %scan3A_204, %scan3A_205 : i32
      %scan3A_207 = arith.constant 1 : i32
      %scan3A_208:4 = scf.for %scan3A_227 = %scan3A_204 to %scan3A_206 step %scan3A_207 iter_args(%scan3A_228 = %scan3A_143#0, %scan3A_229 = %scan3A_143#1, %scan3A_230 = %scan3A_143#2, %scan3A_231 = %scan3A_143#3) -> (f32, f32, f32, f32)  : i32 {
        %mul3A_232 = arith.constant 16 : i32
        %mul3A_233 = arith.muli %scan3A_227, %mul3A_232 : i32
        %get3A = arith.constant 1 : i32
        %get3A_234 = arith.constant 0 : i32
        %get3A_235 = arith.index_cast %get3A : i32 to index
        %get3A_236 = arith.index_cast %get3A_234 : i32 to index
        %get3A_237 = arith.index_cast %mul3A_233 : i32 to index
        %get3A_238 = tpu.vector_load %arg5[%get3A_235, %get3A_236, %get3A_237] {strides = array<i32>} : memref<2x4x4096xf32, #tpu.memory_space<vmem>>, vector<16xf32>,
        %get3A_239 = arith.constant 1 : i32
        %get3A_240 = arith.constant 0 : i32
        %get3A_241 = arith.index_cast %get3A_239 : i32 to index
        %get3A_242 = arith.index_cast %get3A_240 : i32 to index
        %get3A_243 = arith.index_cast %mul3A_233 : i32 to index
        %get3A_244 = tpu.vector_load %arg6[%get3A_241, %get3A_242, %get3A_243] {strides = array<i32>} : memref<2x4x4096xf32, #tpu.memory_space<vmem>>, vector<16xf32>,
        %mul3A_245 = arith.mulf %get3A_238, %get3A_244 : vector<16xf32>
        %broadcast_in_dim3A = arith.constant true
        %broadcast_in_dim3A_246 = vector.broadcast %broadcast_in_dim3A : i1 to vector<16xi1>
        %masked_cumsum3A = tpu.scan <sum>, %mul3A_245 masked %broadcast_in_dim3A_246 : vector<16xf32>, vector<16xi1> -> vector<16xf32>
        %add3A_247 = vector.broadcast %scan3A_228 : f32 to vector<16xf32>
        %add3A_248 = arith.addf %masked_cumsum3A, %add3A_247 : vector<16xf32>
        %swap3A = arith.constant 1 : i32
        %swap3A_249 = arith.constant 0 : i32
        %swap3A_250 = arith.index_cast %swap3A : i32 to index
        %swap3A_251 = arith.index_cast %swap3A_249 : i32 to index
        %swap3A_252 = arith.index_cast %mul3A_233 : i32 to index
        %swap3A_253 = tpu.vector_load %arg7[%swap3A_250, %swap3A_251, %swap3A_252] {strides = array<i32>} : memref<2x4x4096xf32, #tpu.memory_space<vmem>>, vector<16xf32>,
        tpu.vector_store %arg7[%swap3A_250, %swap3A_251, %swap3A_252], %add3A_248 {strides = array<i32>} : memref<2x4x4096xf32, #tpu.memory_space<vmem>>, vector<16xf32>,
        %reduce_sum3A = arith.constant true
        %reduce_sum3A_254 = vector.broadcast %reduce_sum3A : i1 to vector<16xi1>
        %reduce_sum3A_255 = tpu.scan <sum>, %mul3A_245 masked %reduce_sum3A_254 : vector<16xf32>, vector<16xi1> -> vector<16xf32>
        %reduce_sum3A_256 = vector.extract %reduce_sum3A_255[15] : f32 from vector<16xf32>
        %add3A_257 = arith.addf %scan3A_228, %reduce_sum3A_256 : f32
        %get3A_258 = arith.constant 1 : i32
        %get3A_259 = arith.constant 1 : i32
        %get3A_260 = arith.index_cast %get3A_258 : i32 to index
        %get3A_261 = arith.index_cast %get3A_259 : i32 to index
        %get3A_262 = arith.index_cast %mul3A_233 : i32 to index
        %get3A_263 = tpu.vector_load %arg5[%get3A_260, %get3A_261, %get3A_262] {strides = array<i32>} : memref<2x4x4096xf32, #tpu.memory_space<vmem>>, vector<16xf32>,
        %get3A_264 = arith.constant 1 : i32
        %get3A_265 = arith.constant 1 : i32
        %get3A_266 = arith.index_cast %get3A_264 : i32 to index
        %get3A_267 = arith.index_cast %get3A_265 : i32 to index
        %get3A_268 = arith.index_cast %mul3A_233 : i32 to index
        %get3A_269 = tpu.vector_load %arg6[%get3A_266, %get3A_267, %get3A_268] {strides = array<i32>} : memref<2x4x4096xf32, #tpu.memory_space<vmem>>, vector<16xf32>,
        %mul3A_270 = arith.mulf %get3A_263, %get3A_269 : vector<16xf32>
        %broadcast_in_dim3A_271 = arith.constant true
        %broadcast_in_dim3A_272 = vector.broadcast %broadcast_in_dim3A_271 : i1 to vector<16xi1>
        %masked_cumsum3A_273 = tpu.scan <sum>, %mul3A_270 masked %broadcast_in_dim3A_272 : vector<16xf32>, vector<16xi1> -> vector<16xf32>
        %add3A_274 = vector.broadcast %scan3A_229 : f32 to vector<16xf32>
        %add3A_275 = arith.addf %masked_cumsum3A_273, %add3A_274 : vector<16xf32>
        %swap3A_276 = arith.constant 1 : i32
        %swap3A_277 = arith.constant 1 : i32
        %swap3A_278 = arith.index_cast %swap3A_276 : i32 to index
        %swap3A_279 = arith.index_cast %swap3A_277 : i32 to index
        %swap3A_280 = arith.index_cast %mul3A_233 : i32 to index
        %swap3A_281 = tpu.vector_load %arg7[%swap3A_278, %swap3A_279, %swap3A_280] {strides = array<i32>} : memref<2x4x4096xf32, #tpu.memory_space<vmem>>, vector<16xf32>,
        tpu.vector_store %arg7[%swap3A_278, %swap3A_279, %swap3A_280], %add3A_275 {strides = array<i32>} : memref<2x4x4096xf32, #tpu.memory_space<vmem>>, vector<16xf32>,
        %reduce_sum3A_282 = arith.constant true
        %reduce_sum3A_283 = vector.broadcast %reduce_sum3A_282 : i1 to vector<16xi1>
        %reduce_sum3A_284 = tpu.scan <sum>, %mul3A_270 masked %reduce_sum3A_283 : vector<16xf32>, vector<16xi1> -> vector<16xf32>
        %reduce_sum3A_285 = vector.extract %reduce_sum3A_284[15] : f32 from vector<16xf32>
        %add3A_286 = arith.addf %scan3A_229, %reduce_sum3A_285 : f32
        %get3A_287 = arith.constant 1 : i32
        %get3A_288 = arith.constant 2 : i32
        %get3A_289 = arith.index_cast %get3A_287 : i32 to index
        %get3A_290 = arith.index_cast %get3A_288 : i32 to index
        %get3A_291 = arith.index_cast %mul3A_233 : i32 to index
        %get3A_292 = tpu.vector_load %arg5[%get3A_289, %get3A_290, %get3A_291] {strides = array<i32>} : memref<2x4x4096xf32, #tpu.memory_space<vmem>>, vector<16xf32>,
        %get3A_293 = arith.constant 1 : i32
        %get3A_294 = arith.constant 2 : i32
        %get3A_295 = arith.index_cast %get3A_293 : i32 to index
        %get3A_296 = arith.index_cast %get3A_294 : i32 to index
        %get3A_297 = arith.index_cast %mul3A_233 : i32 to index
        %get3A_298 = tpu.vector_load %arg6[%get3A_295, %get3A_296, %get3A_297] {strides = array<i32>} : memref<2x4x4096xf32, #tpu.memory_space<vmem>>, vector<16xf32>,
        %mul3A_299 = arith.mulf %get3A_292, %get3A_298 : vector<16xf32>
        %broadcast_in_dim3A_300 = arith.constant true
        %broadcast_in_dim3A_301 = vector.broadcast %broadcast_in_dim3A_300 : i1 to vector<16xi1>
        %masked_cumsum3A_302 = tpu.scan <sum>, %mul3A_299 masked %broadcast_in_dim3A_301 : vector<16xf32>, vector<16xi1> -> vector<16xf32>
        %add3A_303 = vector.broadcast %scan3A_230 : f32 to vector<16xf32>
        %add3A_304 = arith.addf %masked_cumsum3A_302, %add3A_303 : vector<16xf32>
        %swap3A_305 = arith.constant 1 : i32
        %swap3A_306 = arith.constant 2 : i32
        %swap3A_307 = arith.index_cast %swap3A_305 : i32 to index
        %swap3A_308 = arith.index_cast %swap3A_306 : i32 to index
        %swap3A_309 = arith.index_cast %mul3A_233 : i32 to index
        %swap3A_310 = tpu.vector_load %arg7[%swap3A_307, %swap3A_308, %swap3A_309] {strides = array<i32>} : memref<2x4x4096xf32, #tpu.memory_space<vmem>>, vector<16xf32>,
        tpu.vector_store %arg7[%swap3A_307, %swap3A_308, %swap3A_309], %add3A_304 {strides = array<i32>} : memref<2x4x4096xf32, #tpu.memory_space<vmem>>, vector<16xf32>,
        %reduce_sum3A_311 = arith.constant true
        %reduce_sum3A_312 = vector.broadcast %reduce_sum3A_311 : i1 to vector<16xi1>
        %reduce_sum3A_313 = tpu.scan <sum>, %mul3A_299 masked %reduce_sum3A_312 : vector<16xf32>, vector<16xi1> -> vector<16xf32>
        %reduce_sum3A_314 = vector.extract %reduce_sum3A_313[15] : f32 from vector<16xf32>
        %add3A_315 = arith.addf %scan3A_230, %reduce_sum3A_314 : f32
        %get3A_316 = arith.constant 1 : i32
        %get3A_317 = arith.constant 3 : i32
        %get3A_318 = arith.index_cast %get3A_316 : i32 to index
        %get3A_319 = arith.index_cast %get3A_317 : i32 to index
        %get3A_320 = arith.index_cast %mul3A_233 : i32 to index
        %get3A_321 = tpu.vector_load %arg5[%get3A_318, %get3A_319, %get3A_320] {strides = array<i32>} : memref<2x4x4096xf32, #tpu.memory_space<vmem>>, vector<16xf32>,
        %get3A_322 = arith.constant 1 : i32
        %get3A_323 = arith.constant 3 : i32
        %get3A_324 = arith.index_cast %get3A_322 : i32 to index
        %get3A_325 = arith.index_cast %get3A_323 : i32 to index
        %get3A_326 = arith.index_cast %mul3A_233 : i32 to index
        %get3A_327 = tpu.vector_load %arg6[%get3A_324, %get3A_325, %get3A_326] {strides = array<i32>} : memref<2x4x4096xf32, #tpu.memory_space<vmem>>, vector<16xf32>,
        %mul3A_328 = arith.mulf %get3A_321, %get3A_327 : vector<16xf32>
        %broadcast_in_dim3A_329 = arith.constant true
        %broadcast_in_dim3A_330 = vector.broadcast %broadcast_in_dim3A_329 : i1 to vector<16xi1>
        %masked_cumsum3A_331 = tpu.scan <sum>, %mul3A_328 masked %broadcast_in_dim3A_330 : vector<16xf32>, vector<16xi1> -> vector<16xf32>
        %add3A_332 = vector.broadcast %scan3A_231 : f32 to vector<16xf32>
        %add3A_333 = arith.addf %masked_cumsum3A_331, %add3A_332 : vector<16xf32>
        %swap3A_334 = arith.constant 1 : i32
        %swap3A_335 = arith.constant 3 : i32
        %swap3A_336 = arith.index_cast %swap3A_334 : i32 to index
        %swap3A_337 = arith.index_cast %swap3A_335 : i32 to index
        %swap3A_338 = arith.index_cast %mul3A_233 : i32 to index
        %swap3A_339 = tpu.vector_load %arg7[%swap3A_336, %swap3A_337, %swap3A_338] {strides = array<i32>} : memref<2x4x4096xf32, #tpu.memory_space<vmem>>, vector<16xf32>,
        tpu.vector_store %arg7[%swap3A_336, %swap3A_337, %swap3A_338], %add3A_333 {strides = array<i32>} : memref<2x4x4096xf32, #tpu.memory_space<vmem>>, vector<16xf32>,
        %reduce_sum3A_340 = arith.constant true
        %reduce_sum3A_341 = vector.broadcast %reduce_sum3A_340 : i1 to vector<16xi1>
        %reduce_sum3A_342 = tpu.scan <sum>, %mul3A_328 masked %reduce_sum3A_341 : vector<16xf32>, vector<16xi1> -> vector<16xf32>
        %reduce_sum3A_343 = vector.extract %reduce_sum3A_342[15] : f32 from vector<16xf32>
        %add3A_344 = arith.addf %scan3A_231, %reduce_sum3A_343 : f32
        scf.yield %add3A_257, %add3A_286, %add3A_315, %add3A_344 : f32, f32, f32, f32
      }
      %scan3A_209 = arith.constant 256 : i32
      %mul3A_210 = arith.constant 4 : i32
      %mul3A_211 = arith.muli %scan3A_67, %mul3A_210 : i32
      %add3A_212 = arith.addi %mul3A_2, %mul3A_211 : i32
      %dma_start3A_213 = arith.constant 1 : i32
      %dma_start3A_214 = arith.constant 0 : i32
      %dma_start3A_215 = arith.constant 0 : i32
      %dma_start3A_216 = tpu.memref_slice %arg7[%dma_start3A_213, %dma_start3A_214, %dma_start3A_215] : memref<2x4x4096xf32, #tpu.memory_space<vmem>> -> memref<1x4x4096xf32, #tpu.memory_space<vmem>>
      %dma_start3A_217 = tpu.memref_squeeze %dma_start3A_216 : memref<1x4x4096xf32, #tpu.memory_space<vmem>> -> memref<4x4096xf32, #tpu.memory_space<vmem>>
      %dma_start3A_218 = arith.constant 4096 : i32
      %dma_start3A_219 = tpu.memref_slice %arg4[%add3A_212, %dma_start3A_218] : memref<4096x8192xf32, #tpu.memory_space<hbm>> -> memref<4x4096xf32, #tpu.memory_space<hbm>>
      %dma_start3A_220 = arith.constant 4096 : i32
      %dma_start3A_221 = tpu.memref_slice %arg4[%add3A_212, %dma_start3A_220] : memref<4096x8192xf32, #tpu.memory_space<hbm>> -> memref<4x4096xf32, #tpu.memory_space<hbm>>
      %dma_start3A_222 = arith.constant 0 : i32
      %dma_start3A_223 = arith.constant 0 : i32
      %dma_start3A_224 = tpu.memref_slice %arg7[%dma_start3A_213, %dma_start3A_222, %dma_start3A_223] : memref<2x4x4096xf32, #tpu.memory_space<vmem>> -> memref<1x4x4096xf32, #tpu.memory_space<vmem>>
      %dma_start3A_225 = tpu.memref_squeeze %dma_start3A_224 : memref<1x4x4096xf32, #tpu.memory_space<vmem>> -> memref<4x4096xf32, #tpu.memory_space<vmem>>
      tpu.enqueue_dma source(%dma_start3A_225 : memref<4x4096xf32, #tpu.memory_space<vmem>>) target(%dma_start3A_221 : memref<4x4096xf32, #tpu.memory_space<hbm>>) target_semaphore(%arg13 : memref<!tpu.dma_semaphore, #tpu.memory_space<semaphore_mem>>)
      %scan3A_226 = arith.constant 0 : i32
      scf.yield %scan3A_226 : i32
    }
    %scan3A_37 = arith.constant 32 : i32
    %add3A_38 = arith.constant 124 : i32
    %add3A_39 = arith.addi %mul3A_2, %add3A_38 : i32
    %dma_wait3A = arith.constant 0 : i32
    %dma_wait3A_40 = arith.constant 0 : i32
    %dma_wait3A_41 = arith.constant 0 : i32
    %dma_wait3A_42 = tpu.memref_slice %arg7[%dma_wait3A, %dma_wait3A_40, %dma_wait3A_41] : memref<2x4x4096xf32, #tpu.memory_space<vmem>> -> memref<1x4x4096xf32, #tpu.memory_space<vmem>>
    %dma_wait3A_43 = tpu.memref_squeeze %dma_wait3A_42 : memref<1x4x4096xf32, #tpu.memory_space<vmem>> -> memref<4x4096xf32, #tpu.memory_space<vmem>>
    %dma_wait3A_44 = arith.constant 0 : i32
    %dma_wait3A_45 = tpu.memref_slice %arg4[%add3A_39, %dma_wait3A_44] : memref<4096x8192xf32, #tpu.memory_space<hbm>> -> memref<4x4096xf32, #tpu.memory_space<hbm>>
    %dma_wait3A_46 = arith.constant 0 : i32
    %dma_wait3A_47 = tpu.memref_slice %arg4[%add3A_39, %dma_wait3A_46] : memref<4096x8192xf32, #tpu.memory_space<hbm>> -> memref<4x4096xf32, #tpu.memory_space<hbm>>
    %dma_wait3A_48 = arith.constant 0 : i32
    %dma_wait3A_49 = arith.constant 0 : i32
    %dma_wait3A_50 = tpu.memref_slice %arg7[%dma_wait3A, %dma_wait3A_48, %dma_wait3A_49] : memref<2x4x4096xf32, #tpu.memory_space<vmem>> -> memref<1x4x4096xf32, #tpu.memory_space<vmem>>
    %dma_wait3A_51 = tpu.memref_squeeze %dma_wait3A_50 : memref<1x4x4096xf32, #tpu.memory_space<vmem>> -> memref<4x4096xf32, #tpu.memory_space<vmem>>
    tpu.wait_dma2 semaphore(%arg12 : memref<!tpu.dma_semaphore, #tpu.memory_space<semaphore_mem>>) src(%dma_wait3A_51 : memref<4x4096xf32, #tpu.memory_space<vmem>>) dst(%dma_wait3A_47 : memref<4x4096xf32, #tpu.memory_space<hbm>>)
    %add3A_52 = arith.constant 124 : i32
    %add3A_53 = arith.addi %mul3A_2, %add3A_52 : i32
    %dma_wait3A_54 = arith.constant 1 : i32
    %dma_wait3A_55 = arith.constant 0 : i32
    %dma_wait3A_56 = arith.constant 0 : i32
    %dma_wait3A_57 = tpu.memref_slice %arg7[%dma_wait3A_54, %dma_wait3A_55, %dma_wait3A_56] : memref<2x4x4096xf32, #tpu.memory_space<vmem>> -> memref<1x4x4096xf32, #tpu.memory_space<vmem>>
    %dma_wait3A_58 = tpu.memref_squeeze %dma_wait3A_57 : memref<1x4x4096xf32, #tpu.memory_space<vmem>> -> memref<4x4096xf32, #tpu.memory_space<vmem>>
    %dma_wait3A_59 = arith.constant 4096 : i32
    %dma_wait3A_60 = tpu.memref_slice %arg4[%add3A_53, %dma_wait3A_59] : memref<4096x8192xf32, #tpu.memory_space<hbm>> -> memref<4x4096xf32, #tpu.memory_space<hbm>>
    %dma_wait3A_61 = arith.constant 4096 : i32
    %dma_wait3A_62 = tpu.memref_slice %arg4[%add3A_53, %dma_wait3A_61] : memref<4096x8192xf32, #tpu.memory_space<hbm>> -> memref<4x4096xf32, #tpu.memory_space<hbm>>
    %dma_wait3A_63 = arith.constant 0 : i32
    %dma_wait3A_64 = arith.constant 0 : i32
    %dma_wait3A_65 = tpu.memref_slice %arg7[%dma_wait3A_54, %dma_wait3A_63, %dma_wait3A_64] : memref<2x4x4096xf32, #tpu.memory_space<vmem>> -> memref<1x4x4096xf32, #tpu.memory_space<vmem>>
    %dma_wait3A_66 = tpu.memref_squeeze %dma_wait3A_65 : memref<1x4x4096xf32, #tpu.memory_space<vmem>> -> memref<4x4096xf32, #tpu.memory_space<vmem>>
    tpu.wait_dma2 semaphore(%arg13 : memref<!tpu.dma_semaphore, #tpu.memory_space<semaphore_mem>>) src(%dma_wait3A_66 : memref<4x4096xf32, #tpu.memory_space<vmem>>) dst(%dma_wait3A_62 : memref<4x4096xf32, #tpu.memory_space<hbm>>)
    return
  }
}

</mosaic_0001>

<sc_bundles>
// kernel: kernel.3.cloned.1.call-start
scs
__scs_entry_jumppad:
0x0: {  	(pc) =	sbr.rel $0x88, $3  }
0x1: {  	(tag) =	ssettag $0x0;
	lr =	simm.s32 $0x1  }
0x2: {  	[smem:$0x3F9F] =	sst lr;
	_ =	strace $0xD0000000  }
0x3: {  	_ = 	snop  }
0x4: {  	_ = 	snop  }
0x5: {  	_ = 	snop  }
0x6: {  	_ = 	snop  }
0x7: {  	_ = 	snop  }
__scs_overlays_trampoline_lowered:
0x8: {  	[smem:$0x3FAE] =	sst s0  }
0x9: {  	[smem:$0x3FAF] =	sst s1  }
0xa: {  	[smem:$0x3FB0] =	sst s2  }
0xb: {  	[smem:$0x3FB1] =	sst s3  }
0xc: {  	[smem:$0x3FB2] =	sst s4  }
0xd: {  	[smem:$0x3FB3] =	sst s5  }
0xe: {  	[smem:$0x3FB4] =	sst s6  }
0xf: {  	[smem:$0x3FB5] =	sst s7  }
0x10: {  	[smem:$0x3FB6] =	sst s8  }
0x11: {  	[smem:$0x3FB7] =	sst s9;
	s0 =	simm.s32 @!p0 $0x0  }
0x12: {  	s1 =	sld [smem:$0x3F9D];
	s0 =	simm.s32 @p0 $0x1  }
0x13: {  	[smem:$0x3FB8] =	sst s0;
	s0 =	simm.s32 @!p1 $0x0  }
0x14: {  	s2 =	sld [smem:$0x3F9C];
	s0 =	simm.s32 @p1 $0x1  }
0x15: {  	[smem:$0x3FB9] =	sst s0;
	s0 =	simm.s32 @!p2 $0x0  }
0x16: {  	s3 =	sld [smem:$0x3FDB];
	s0 =	simm.s32 @p2 $0x1  }
0x17: {  	s4 =	simm.s32 $0x1BF5;
	[smem:$0x3FBB] =	sst s0  }
0x18: {  	s0 =	sld [smem:$0x3F9E];
	_ =	swait.ge [sflag:s4], $0x0  }
0x19: {  	s7 =	sld [smem:$0x3F9F]  }
0x1a: {  	s8 =	sadd.s32 $0xFFFFE003, lr  }
0x1b: {  	s9 =	sadd.s32 $0xFFFFFEF7, lr;
	s5 =	simm.s32 $0xFFFFFFFF;
	p2 =	slt.u32 s8, $0xFFFFF086  }
0x1c: {  	p1 =	slt.u32 s9, $0xF7A;
	s5 =	simm.s32 @!p2 $0x0  }
0x1d: {  	s5 =	simm.s32 @p1 $0x1;
	p0 =	seq.s32 s7, s2  }
0x1e: {  	s7 =	smul.u32 @!p0 $0xF7A, s2;
	p2 =	seq.s32 @!p0 s5, $0x0  }
0x1f: {  	s9 =	smul.u32 $0xF7A, s1;
	s8 =	simm.s32 @!p0 $0x1BF5;
	p2 =	por !p2, p0  }
0x20: {  	[sflag:s8] =	ssyncset.s32 @!p0 $0xFFFFF086;
	s6 =	sadd.s32 @!p0 s3, s7;
	s7 =	simm.s32 @!p0 $0x108  }
0x21: {  	s3 =	sadd.s32 s3, s9;
	s6 =	sadd.s32 @!p0 $0x88, s6;
	s7 =	simm.s32 @p2 $0x1082  }
0x22: {  	[simem:s7], [sflag:s8] =	dma.local @!p0 [hbm:s6], $0xF7A  }
0x23: {  	s9 =	sor.u32 $0xD0000000, s2;
	s6 =	simm.s32 $0x108;
	_ =	swait.ge @!p0 [sflag:s8], $0x0  }
0x24: {  	s3 =	sadd.s32 $0x88, s3;
	s6 =	simm.s32 @!p1 $0x1082;
	[sflag:s4] =	ssyncset.s32 $0xFFFFF086  }
0x25: {  	[simem:s6], [sflag:s4] =	dma.local [hbm:s3], $0xF7A  }
0x26: {  	[smem:$0x3F9F] =	sst s1;
	(tag) =	ssettag s2;
	_ =	strace s9  }
0x27: {  	s1 =	sld [smem:$0x3FAF]  }
0x28: {  	s2 =	sld [smem:$0x3FB0]  }
0x29: {  	s4 =	sld [smem:$0x3FB2]  }
0x2a: {  	p0 =	seq.s32 s5, $0x0;
	s5 =	sld [smem:$0x3FB3]  }
0x2b: {  	s6 =	sld [smem:$0x3FB4]  }
0x2c: {  	s7 =	sld [smem:$0x3FB5]  }
0x2d: {  	s3 =	simm.s32 $0x108;
	s8 =	sld [smem:$0x3FB6]  }
0x2e: {  	s3 =	simm.s32 @!p0 $0x1082;
	s9 =	sld [smem:$0x3FB7]  }
0x2f: {  	lr =	sadd.s32 s0, s3;
	s0 =	sld [smem:$0x3FAE]  }
0x30: {  	s3 =	sld [smem:$0x3FB1]  }
0x31: {  	[smem:$0x3FBA] =	sst s10  }
0x32: {  	s10 =	sld [smem:$0x3FB8];
	_ =	sdelay $0x3  }
0x33: {  	p0 =	seq.s32 s10, $0x1;
	s10 =	sld [smem:$0x3FBA];
	_ =	sdelay $0x3  }
0x34: {  	[smem:$0x3FBA] =	sst s10  }
0x35: {  	s10 =	sld [smem:$0x3FB9];
	_ =	sdelay $0x3  }
0x36: {  	p1 =	seq.s32 s10, $0x1;
	s10 =	sld [smem:$0x3FBA];
	_ =	sdelay $0x3  }
0x37: {  	[smem:$0x3FBA] =	sst s10  }
0x38: {  	s10 =	sld [smem:$0x3FBB]  }
0x39: {  	_ = 	snop;
	(pc) =	sbr.ind lr, $3  }
0x3a: {  	_ = 	snop  }
0x3b: {  	_ = 	snop  }
0x3c: {  	p2 =	seq.s32 s10, $0x1;
	s10 =	sld [smem:$0x3FBA]  }
0x3d: {  	_ =	shalt  }
0x3e: {  	_ =	shalt  }
0x3f: {  	_ =	shalt  }
0x40: {  	_ =	shalt  }
0x41: {  	_ =	shalt  }
0x42: {  	_ =	shalt  }
0x43: {  	_ =	shalt  }
0x44: {  	_ =	shalt  }
0x45: {  	_ =	shalt  }
0x46: {  	_ =	shalt  }
0x47: {  	_ =	shalt  }
0x48: {  	_ =	shalt  }
0x49: {  	_ =	shalt  }
0x4a: {  	_ =	shalt  }
0x4b: {  	_ =	shalt  }
0x4c: {  	_ =	shalt  }
0x4d: {  	_ =	shalt  }
0x4e: {  	_ =	shalt  }
0x4f: {  	_ =	shalt  }
0x50: {  	_ =	shalt  }
0x51: {  	_ =	shalt  }
0x52: {  	_ =	shalt  }
0x53: {  	_ =	shalt  }
0x54: {  	_ =	shalt  }
0x55: {  	_ =	shalt  }
0x56: {  	_ =	shalt  }
0x57: {  	_ =	shalt  }
0x58: {  	_ =	shalt  }
0x59: {  	_ =	shalt  }
0x5a: {  	_ =	shalt  }
0x5b: {  	_ =	shalt  }
0x5c: {  	_ =	shalt  }
0x5d: {  	_ =	shalt  }
0x5e: {  	_ =	shalt  }
0x5f: {  	_ =	shalt  }
0x60: {  	_ =	shalt  }
0x61: {  	_ =	shalt  }
0x62: {  	_ =	shalt  }
0x63: {  	_ =	shalt  }
0x64: {  	_ =	shalt  }
0x65: {  	_ =	shalt  }
0x66: {  	_ =	shalt  }
0x67: {  	_ =	shalt  }
0x68: {  	_ =	shalt  }
0x69: {  	_ =	shalt  }
0x6a: {  	_ =	shalt  }
0x6b: {  	_ =	shalt  }
0x6c: {  	_ =	shalt  }
0x6d: {  	_ =	shalt  }
0x6e: {  	_ =	shalt  }
0x6f: {  	_ =	shalt  }
0x70: {  	_ =	shalt  }
0x71: {  	_ =	shalt  }
0x72: {  	_ =	shalt  }
0x73: {  	_ =	shalt  }
0x74: {  	_ =	shalt  }
0x75: {  	_ =	shalt  }
0x76: {  	_ =	shalt  }
0x77: {  	_ =	shalt  }
0x78: {  	_ =	shalt  }
0x79: {  	_ =	shalt  }
0x7a: {  	_ =	shalt  }
0x7b: {  	_ =	shalt  }
0x7c: {  	_ =	shalt  }
0x7d: {  	_ =	shalt  }
0x7e: {  	_ =	shalt  }
0x7f: {  	_ =	shalt  }
0x80: {  	_ =	shalt  }
0x81: {  	_ =	shalt  }
0x82: {  	_ =	shalt  }
0x83: {  	_ =	shalt  }
0x84: {  	_ =	shalt  }
0x85: {  	_ =	shalt  }
0x86: {  	_ =	shalt  }
0x87: {  	_ =	shalt  }
.Lfunc_end0:
.L_simem_size_0:
called_computation_lowered:
.L_overlay_start_0:
0x88: {  	s2 =	sld [smem:$0x3FD9]  }
0x89: {  	s3 =	sld [smem:$0x3FFE];
	_ =	sdelay $0x1  }
0x8a: {  	s1 =	srdreg.scid  }
0x8b: {  	s0 =	sand.u32 $0x1, s1  }
0x8c: {  	s17 =	sshll.u32 s0, $0xA;
	s2 =	sadd.s32 s3, s2  }
0x8d: {  	s2 =	sadd.s32 s2, s17  }
0x8e: {  	[smem:$0x3FC6] =	sst s2  }
0x8f: {  	_ = 	snop  }
0x90: {  	s2 =	sld [smem:$0x3FC9]  }
0x91: {  	s18 =	sld [smem:$0x3FD0];
	(tm) =	ssettm $0x1  }
0x92: {  	s4 =	sld [smem:$0x3FFB];
	_ =	sdelay $0x3  }
0x93: {  	_ =	strace s4  }
0x94: {  	s4 =	sld [smem:$0x3FFC];
	_ =	sdelay $0x3  }
0x95: {  	_ =	strace s4  }
0x96: {  	s4 =	sld [smem:$0x3FFD];
	_ =	sdelay $0x3  }
0x97: {  	_ =	strace s4  }
0x98: {  	_ =	strace $0x8FFFFFFF  }
0x99: {  	s19 =	sld [smem:$0x3FDB];
	_ =	sdelay $0x1  }
0x9a: {  	s5 =	simm.s32 $_scs_section_size  }
0x9b: {  	s6 =	simm.s32 $_size__tile_overlayer_lowered;
	s7 =	simm.s32 $_tile_overlayer_lowered  }
0x9c: {  	s22 =	simm.s32 $0x1BFF;
	s21 =	sshll.u32 s7, $0x1;
	s4 =	sadd.s32 s5, s19  }
0x9d: {  	s8 =	simm.s32 $0x0;
	s20 =	sshll.u32 s6, $0x1;
	s6 =	sadd.s32 s21, s4  }
0x9e: {  	[timem:s8], [sflag:s22] =	dma.local [hbm:s6], s20  }
0x9f: {  	_ =	swait.ge [sflag:s22], s20  }
0xa0: {  	s5 =	ssub.s32 $0x0, s20;
	[sflag:s22] =	ssyncset.done $0x0  }
0xa1: {  	[sflag:s22] =	ssyncadd.s32 s5;
	_ =	sdelay $0x1  }
0xa2: {  	s23 =	simm.s32 $0x1B8B  }
0xa3: {  	_ =	swait.ge [sflag:s23], $0x1  }
0xa4: {  	[sflag:s23] =	ssyncset.done $0x0  }
0xa5: {  	s25 =	simm.s32 $0x1B8E;
	s24 =	sld [smem:$0x3FFE];
	[sflag:s23] =	ssyncadd.s32 $0xFFFFFFFF  }
0xa6: {  	s26 =	simm.s32 $execute0_lowered;
	[smem:$0x3FD2] =	sst s25  }
0xa7: {  	s6 =	sshll.u32 s26, $0x1;
	_ =	strace $0x80000046;
	[dreg:$0x1] =	wrdreg $0xFFFFFFFF  }
0xa8: {  	s28 =	simm.s32 $_size_execute0_lowered;
	s4 =	sadd.s32 s4, s6;
	[dreg:$0x0] =	wrdreg $0x0  }
0xa9: {  	s6 =	sshll.u32 s28, $0x1;
	[dreg:$0x2] =	wrdreg s4  }
0xaa: {  	[dreg:$0x3] =	wrdreg s6  }
0xab: {  	[dreg:$0x4] =	wrdreg $0xC0  }
0xac: {  	_ =	task [dreg:s8], $0x5FFFF  }
0xad: {  	[dreg:$0x1] =	wrdreg $0xFFFFFFFF  }
0xae: {  	[dreg:$0x0] =	wrdreg $0x60  }
0xaf: {  	[dreg:$0x2] =	wrdreg s2  }
0xb0: {  	[dreg:$0x3] =	wrdreg s24  }
0xb1: {  	[dreg:$0x4] =	wrdreg s18  }
0xb2: {  	[dreg:$0x5] =	wrdreg $0x9  }
0xb3: {  	_ =	task.clear_ibuf [dreg:s8], $0x6FFFF;
	_ =	strace $0x90000046  }
0xb4: {  	s29 =	simm.s32 $0x9;
	_ =	strace $0x80000048  }
0xb5: {  	_ =	swait.ge [sflag:s29], $0x1  }
0xb6: {  	[sflag:s29] =	ssyncadd.s32 $0xFFFFFFFF  }
0xb7: {  	_ =	strace $0x90000048  }
0xb8: {  	_ =	sfence  }
0xb9: {  	s30 =	sld [smem:$0x0];
	_ =	sdelay $0x2  }
0xba: {  	s31 =	sshll.u32 s1, $0xD;
	s1 =	sshrl.u32 s1, $0x2  }
0xbb: {  	s3 =	sand.u32 $0x4000, s31;
	s1 =	sadd.s32 s1, s30  }
0xbc: {  	s0 =	sor.u32 s3, s0;
	s1 =	sshll.u32 s1, $0x11  }
0xbd: {  	s0 =	sor.u32 s1, s0  }
0xbe: {  	s0 =	sadd.s32 $0x8F2B, s0  }
0xbf: {  	[sflag:s0] =	ssyncadd.remote.s32 $0x1  }
0xc0: {  	_ =	sfence.sel $0xFFFF  }
0xc1: {  	[dreg:$0x0] =	wrdreg $0xFFFFFFFF;
	(pc) =	sbr.abs _section_cstart, $3  }
0xc2: {  	[dreg:$0x1] =	wrdreg $0xFFFFFFFF  }
0xc3: {  	_ =	task.clear_ibuf [dreg:s8], $0x2FFFF;
	_ =	strace $0x9FFFFFFF  }
0xc4: {  	(tm) =	ssettm $0x7FFFFFFF  }
0xc5: {  	_ =	shalt  }
tec
execute0_lowered:
.L_overlay_start_1:
0x0: {  	(tag) =	ssettag $0x1  }
0x1: {  	s1 =	rddreg [dreg:$0x0]  }
0x2: {  	s0 =	rddreg [dreg:$0x1]  }
0x3: {  	s2 =	rddreg [dreg:$0x2];
	s4 =	simm.s32 $0x0;
	s3 =	srdreg.scid  }
0x4: {  	s5 =	stileid.u32;
	s11 =	simm.s32 $0x200;
	s12 =	simm.s32 $0x400  }
0x5: {  	s14 =	simm.s32 $0x1;
	s15 =	simm.s32 $0x3;
	s17 =	simm.s32 $0xC000  }
0x6: {  	s18 =	simm.s32 $0x10000;
	s19 =	simm.s32 $0x2;
	s3 =	sand.u32 $0x1, s3  }
0x7: {  	s5 =	sshll.u32 s5, $0x8;
	s28 =	ssub.s32 $0x2, s3;
	s3 =	sshll.u32 s3, $0x7  }
0x8: {  	s20 =	simm.s32 $0x4;
	s6 =	sshrl.u32 s28, $0x1;
	s3 =	sor.u32 s3, s5  }
0x9: {  	s21 =	simm.s32 $0x14000;
	s29 =	ssub.s32 s28, s6;
	s6 =	sshll.u32 s3, $0xA  }
0xa: {  	[smem:$0x7FF] =	sst s4;
	s5 =	sadd.s32 $0x400, s0;
	s30 =	sadd.s32 s1, s6  }
0xb: {  	_ =	strace $0x80000047;
	s31 =	sadd.s32 s5, s6;
	[dreg:$0x4] =	wrdreg s30  }
0xc: {  	s23 =	simm.s32 $0x6;
	s0 =	smax.u32 s29, $0x1;
	[dreg:$0x5] =	wrdreg s31  }
0xd: {  	s9 =	sshll.u32 s3, $0xD;
	s3 =	simm.s32 $0x0;
	[dreg:$0x6] =	wrdreg s0  }
.LBB2_1:
0xe: {  	[dreg:$0x7] =	wrdreg s3  }
0xf: {  	s0 =	simm.s32 $0x0;
	s29 =	rddreg [dreg:$0x4]  }
0x10: {  	[tilespmem:s0], [sflag:$0x1] =	stream.strided.gather [hbm4b:s29+s11], $0x4000, s12, s11, $0x38;
	[tilespmem:$0x18000] =	vst v63  }
0x11: {  	s30 =	rddreg [dreg:$0x5];
	s31 =	simm.s32 $0x8000;
	s26 =	simm.s32 $0x0  }
0x12: {  	[tilespmem:s31], [sflag:$0x3] =	stream.strided.gather [hbm4b:s30+s11], $0x4000, s12, s11, $0x38;
	[tilespmem:$0x18000] =	vst v63  }
.LBB2_2:
0x13: {  	s0 =	sshll.u32 s26, $0xF;
	s3 =	sshll.u32 s26, $0x9;
	_ =	swait.ge [sflag:s14], $0x4000  }
0x14: {  	s7 =	sadd.s32 s9, s0;
	s3 =	sand.u32 $0x200, s3;
	[sflag:s14] =	ssyncset.done $0x0  }
0x15: {  	[sflag:s14] =	ssyncadd.s32 $0xFFFFC000;
	s0 =	sor.u32 s3, s7  }
0x16: {  	_ =	swait.ge [sflag:s15], $0x4000;
	s0 =	sshrl.u32 s0, $0x3  }
0x17: {  	s4 =	simm.s32 $0x4000;
	[sflag:s15] =	ssyncset.done $0x0;
	s25 =	sor.u32 $0x1000, s0  }
0x18: {  	p0 =	seq.s32 s26, $0x0;
	[sflag:s15] =	ssyncadd.s32 $0xFFFFC000;
	s0 =	sadd.s32 s1, s25  }
0x19: {  	[tilespmem:s4], [sflag:$0x2] =	stream.strided.gather [hbm4b:s0+s11], $0x4000, s12, s11, $0x38;
	[tilespmem:$0x18000] =	vst v63  }
0x1a: {  	s22 =	sadd.s32 s5, s25;
	s0 =	simm.s32 @!p0 $0x5  }
0x1b: {  	[tilespmem:s17], [sflag:$0x4] =	stream.strided.gather [hbm4b:s22+s11], $0x4000, s12, s11, $0x38;
	[tilespmem:$0x18000] =	vst v63  }
0x1c: {  	s24 =	simm.s32 $0x0;
	_ =	swait.ge @!p0 [sflag:s0], $0x4000  }
0x1d: {  	s8 =	sand.u32 $0x70, s24;
	s4 =	sand.u32 $0x3E00, s24;
	[sflag:s0] =	ssyncset.done @!p0 $0x0  }
0x1e: {  	[sflag:s0] =	ssyncadd.s32 @!p0 $0xFFFFC000;
	s0 =	sor.u32 s8, s4  }
0x1f: {  	v0 =	vld [tilespmem:s0+$0x180]  }
0x20: {  	v1 =	vld [tilespmem:s0+$0x8180];
	_ =	sdelay $0x4  }
0x21: {  	v0 =	vmul.f32 v1, v0;
	_ =	sdelay $0x1  }
0x22: {  	(xrf2) =	vadd.scan.msk.f32 $0xffff, v0;
	_ =	sdelay $0x1  }
0x23: {  	v1 =	vld [tilespmem:s0+$0x0]  }
0x24: {  	v0 =	vld [tilespmem:s0+$0x8000];
	_ =	sdelay $0x1  }
0x25: {  	v2 =	vld [tilespmem:s0+$0x80]  }
0x26: {  	s10 =	simm.s32 $0x40;
	s8 =	simm.s32 $0x10;
	v3 =	vld [tilespmem:s0+$0x8080]  }
0x27: {  	v4 =	vld [tilespmem:s0+$0x100];
	s4 =	sand.u32 $0x70, s8;
	s8 =	sand.u32 $0x3E00, s10  }
0x28: {  	v5 =	vld [tilespmem:s0+$0x8100];
	s28 =	sor.u32 s4, s8;
	v0 =	vmul.f32 v0, v1  }
0x29: {  	s13 =	simm.s32 $0x20;
	s16 =	simm.s32 $0x80;
	v6 =	vld [tilespmem:s28+$0x180]  }
0x2a: {  	s4 =	sand.u32 $0x70, s13;
	s8 =	sand.u32 $0x3E00, s16;
	v7 =	vld [tilespmem:s28+$0x8180];
	v9, _, _ =	vpop (xrf2);
	(xrf2) =	vadd.scan.msk.f32 $0xffff, v0  }
0x2b: {  	v8 =	vld [tilespmem:s28+$0x0];
	s29 =	sor.u32 s4, s8;
	v2 =	vmul.f32 v3, v2  }
0x2c: {  	v62 =	vld [tilespmem:s29+$0x8000]  }
0x2d: {  	v1 =	vld [tilespmem:s28+$0x8000];
	(xrf2) =	vadd.scan.msk.f32 $0xffff, v2  }
0x2e: {  	v3 =	vld [tilespmem:s28+$0x80];
	v0 =	vmul.f32 v5, v4  }
0x2f: {  	s4 =	simm.f32 $0.0e+00;
	v5 =	vld [tilespmem:s28+$0x8100]  }
0x30: {  	v4 =	vmul.f32 v7, v6;
	v7 =	vld [tilespmem:s29+$0x0];
	(v2sf) =	vpush v9, $0xF;
	v6 =	vadd.f32 s4, v9;
	(xrf2) =	vadd.scan.msk.f32 $0xffff, v0  }
0x31: {  	v2 =	vld [tilespmem:s28+$0x8080]  }
0x32: {  	v1 =	vmul.f32 v1, v8;
	v0 =	vld [tilespmem:s28+$0x100]  }
0x33: {  	(xrf2) =	vadd.scan.msk.f32 $0xffff, v4;
	v4 =	vld [tilespmem:s29+$0x8180]  }
0x34: {  	(xrf2) =	vadd.scan.msk.f32 $0xffff, v1;
	v1 =	vld [tilespmem:s29+$0x180];
	[tilespmem:s0+$0x10180] =	vst v6;
	v6, _, _ =	vpop (xrf2)  }
0x35: {  	(v2sf) =	vpush v6, $0xF;
	_ =	sdelay $0x1  }
0x36: {  	v2 =	vmul.f32 v2, v3;
	v3 =	vadd.f32 s4, v6;
	v6, _, _ =	vpop (xrf2)  }
0x37: {  	(v2sf) =	vpush v6, $0xF  }
0x38: {  	(xrf2) =	vadd.scan.msk.f32 $0xffff, v2  }
0x39: {  	v5 =	vmul.f32 v5, v0;
	v1 =	vmul.f32 v4, v1;
	v11, _, _ =	vpop (xrf2)  }
0x3a: {  	v63 =	vld [tilespmem:s29+$0x80];
	(v2sf) =	vpush v11, $0xF  }
0x3b: {  	v10 =	vld [tilespmem:s29+$0x8080];
	(xrf2) =	vadd.scan.msk.f32 $0xffff, v5  }
0x3c: {  	v0 =	vld [tilespmem:s29+$0x100];
	[tilespmem:s0+$0x10000] =	vst v3;
	v3, _, _ =	vpop (xrf2)  }
0x3d: {  	s7 =	sand.u32 $0x1FF0000, s7;
	(xrf2) =	vadd.scan.msk.f32 $0xffff, v1;
	v2 =	vld [tilespmem:s29+$0x8100];
	(v2sf) =	vpush v3, $0xF;
	v1, _, _ =	vpop (xrf2)  }
0x3e: {  	s30 =	sor.u32 s3, s7;
	s13 =	spop (v2sf);
	(v2sf) =	vpush v1, $0xF  }
0x3f: {  	s7 =	simm.f32 $0.0e+00;
	s10 =	simm.s32 $0x30;
	s8 =	simm.s32 $0xC0;
	v4 =	vadd.f32 s4, v6;
	v6 =	vmul.f32 v62, v7  }
0x40: {  	s22 =	sand.u32 $0x70, s10;
	s10 =	simm.s32 $0x40;
	s24 =	sand.u32 $0x3E00, s8;
	v5 =	vadd.f32 s4, v11  }
0x41: {  	s31 =	sor.u32 s22, s24;
	[tilespmem:s0+$0x10080] =	vst v4;
	v4 =	vmul.f32 v10, v63;
	(xrf2) =	vadd.scan.msk.f32 $0xffff, v6;
	s3 =	sadd.f32 s13, s4;
	s13 =	simm.f32 $0.0e+00  }
.LBB2_3:
0x42: {  	p0 =	sne.s32 s10, $0xFF0;
	v6 =	vld [tilespmem:s31+$0x180];
	v0 =	vmul.f32 v2, v0;
	v7, _, _ =	vpop (xrf2);
	[tilespmem:s0+$0x10100] =	vst v5;
	s0 =	smov.u32 s28;
	s28 =	smov.u32 s29  }
0x43: {  	s29 =	smov.u32 s31;
	v2 =	vld [tilespmem:s31+$0x8180];
	v3 =	vadd.f32 s3, v3;
	(v2sf) =	vpush v7, $0xF;
	s22 =	spop (v2sf)  }
0x44: {  	v5 =	vld [tilespmem:s29+$0x0];
	(xrf2) =	vadd.scan.msk.f32 $0xffff, v4;
	s4 =	sadd.f32 s22, s4  }
0x45: {  	v4 =	vld [tilespmem:s29+$0x8000];
	[tilespmem:s0+$0x10180] =	vst v3;
	v8, _, _ =	vpop (xrf2)  }
0x46: {  	v9 =	vld [tilespmem:s29+$0x80];
	v1 =	vadd.f32 s4, v1;
	(v2sf) =	vpush v8, $0xF;
	s22 =	spop (v2sf)  }
0x47: {  	v10 =	vld [tilespmem:s29+$0x8080];
	(xrf2) =	vadd.scan.msk.f32 $0xffff, v0;
	s7 =	sadd.f32 s22, s7  }
0x48: {  	v0 =	vld [tilespmem:s29+$0x100];
	v6 =	vmul.f32 v2, v6;
	v3, _, _ =	vpop (xrf2);
	[tilespmem:s0+$0x10000] =	vst v1  }
.Ltmp0:
0x49: {  	v2 =	vld [tilespmem:s29+$0x8100];
	(v2sf) =	vpush v3, $0xF;
	v7 =	vadd.f32 s7, v7;
	s22 =	spop (v2sf);
	(pc) =	sbr.rel @p0 .LBB2_3-.Ltmp0, $4  }
0x4a: {  	v11 =	vmul.f32 v4, v5;
	(xrf2) =	vadd.scan.msk.f32 $0xffff, v6;
	s13 =	sadd.f32 s22, s13  }
0x4b: {  	s8 =	sadd.s32 $0x40, s8;
	v1, _, _ =	vpop (xrf2);
	[tilespmem:s0+$0x10080] =	vst v7  }
0x4c: {  	s31 =	sand.u32 $0x3E00, s8;
	s22 =	sand.u32 $0x70, s10;
	v4 =	vmul.f32 v10, v9;
	(v2sf) =	vpush v1, $0xF;
	v5 =	vadd.f32 s13, v8;
	s24 =	spop (v2sf)  }
0x4d: {  	s10 =	sadd.s32 $0x10, s10;
	s31 =	sor.u32 s22, s31;
	(xrf2) =	vadd.scan.msk.f32 $0xffff, v11;
	s3 =	sadd.f32 s24, s3  }
0x4e: {  	v6 =	vld [tilespmem:s31+$0x180];
	[tilespmem:s0+$0x10100] =	vst v5  }
0x4f: {  	s10 =	spop (v2sf);
	v5 =	vld [tilespmem:s31+$0x8180];
	v3 =	vadd.f32 s3, v3  }
0x50: {  	v7 =	vld [tilespmem:s31+$0x0];
	s0 =	sadd.f32 s10, s4  }
0x51: {  	v8 =	vld [tilespmem:s31+$0x8000];
	[tilespmem:s28+$0x10180] =	vst v3  }
0x52: {  	v1 =	vadd.f32 s0, v1;
	v3 =	vld [tilespmem:s31+$0x80]  }
0x53: {  	v9 =	vld [tilespmem:s31+$0x8080]  }
0x54: {  	v10 =	vld [tilespmem:s31+$0x100];
	[tilespmem:s28+$0x10000] =	vst v1  }
0x55: {  	v0 =	vmul.f32 v2, v0;
	v1 =	vld [tilespmem:s31+$0x8100]  }
0x56: {  	(xrf2) =	vadd.scan.msk.f32 $0xffff, v4  }
0x57: {  	(xrf2) =	vadd.scan.msk.f32 $0xffff, v0;
	v0 =	vmul.f32 v5, v6;
	_ =	sdelay $0x1  }
0x58: {  	v2 =	vmul.f32 v8, v7;
	(xrf2) =	vadd.scan.msk.f32 $0xffff, v0;
	v0 =	vmul.f32 v9, v3  }
0x59: {  	v1 =	vmul.f32 v1, v10  }
0x5a: {  	(xrf2) =	vadd.scan.msk.f32 $0xffff, v2  }
0x5b: {  	(xrf2) =	vadd.scan.msk.f32 $0xffff, v0  }
0x5c: {  	v0, _, _ =	vpop (xrf2);
	(xrf2) =	vadd.scan.msk.f32 $0xffff, v1  }
0x5d: {  	(v2sf) =	vpush v0, $0xF;
	v1, _, _ =	vpop (xrf2)  }
0x5e: {  	v2, _, _ =	vpop (xrf2);
	(v2sf) =	vpush v1, $0xF  }
0x5f: {  	v3, _, _ =	vpop (xrf2);
	(v2sf) =	vpush v2, $0xF  }
0x60: {  	v4, _, _ =	vpop (xrf2);
	(v2sf) =	vpush v3, $0xF  }
0x61: {  	v5, _, _ =	vpop (xrf2);
	(v2sf) =	vpush v4, $0xF  }
0x62: {  	(v2sf) =	vpush v5, $0xF  }
0x63: {  	v6, _, _ =	vpop (xrf2)  }
0x64: {  	(v2sf) =	vpush v6, $0xF;
	v7, _, _ =	vpop (xrf2)  }
0x65: {  	(v2sf) =	vpush v7, $0xF;
	v57, _, _ =	vpop (xrf2)  }
0x66: {  	(v2sf) =	vpush v57, $0xF;
	v58, _, _ =	vpop (xrf2)  }
0x67: {  	(v2sf) =	vpush v58, $0xF  }
0x68: {  	s16 =	spop (v2sf)  }
0x69: {  	s4 =	sadd.f32 s16, s7;
	s8 =	spop (v2sf)  }
0x6a: {  	s8 =	sadd.f32 s8, s13;
	s22 =	spop (v2sf)  }
0x6b: {  	s3 =	sadd.f32 s22, s3;
	s10 =	spop (v2sf);
	v0 =	vadd.f32 s4, v0  }
0x6c: {  	s0 =	sadd.f32 s10, s0;
	v1 =	vadd.f32 s8, v1;
	s24 =	spop (v2sf)  }
0x6d: {  	[tilespmem:s28+$0x10080] =	vst v0;
	v0 =	vadd.f32 s3, v2;
	s4 =	sadd.f32 s24, s4;
	s13 =	spop (v2sf)  }
0x6e: {  	[tilespmem:s28+$0x10100] =	vst v1;
	v1 =	vadd.f32 s0, v3;
	s16 =	spop (v2sf);
	s8 =	sadd.f32 s13, s8  }
0x6f: {  	[tilespmem:s29+$0x10180] =	vst v0;
	v0 =	vadd.f32 s4, v4;
	s22 =	spop (v2sf);
	s3 =	sadd.f32 s16, s3  }
0x70: {  	[tilespmem:s29+$0x10000] =	vst v1;
	v1 =	vadd.f32 s8, v5;
	s0 =	sadd.f32 s22, s0;
	s24 =	spop (v2sf)  }
0x71: {  	[tilespmem:s29+$0x10080] =	vst v0;
	v0 =	vadd.f32 s3, v6;
	s7 =	sadd.f32 s24, s4;
	s10 =	spop (v2sf)  }
0x72: {  	[tilespmem:s29+$0x10100] =	vst v1;
	v1 =	vadd.f32 s0, v7;
	s8 =	sadd.f32 s10, s8  }
0x73: {  	s4 =	spop (v2sf);
	[tilespmem:s31+$0x10180] =	vst v0;
	v0 =	vadd.f32 s7, v57  }
0x74: {  	s10 =	spop (v2sf);
	[tilespmem:s31+$0x10000] =	vst v1;
	v1 =	vadd.f32 s8, v58  }
0x75: {  	s22 =	sshrl.u32 s30, $0x3;
	s13 =	spop (v2sf);
	[tilespmem:s31+$0x10080] =	vst v0  }
0x76: {  	s22 =	sadd.s32 s2, s22;
	s24 =	spop (v2sf);
	[tilespmem:s31+$0x10100] =	vst v1  }
0x77: {  	[hbm4b:s22+s11] =	stream.strided.scatter [tilespmem:s18], [sflag:$0x5], $0x4000, s12, s11, $0x38;
	[tilespmem:$0x18000] =	vst v63  }
0x78: {  	p0 =	seq.s32 s26, $0x1F;
	s28 =	sadd.s32 $0x1, s26;
	_ =	swait.ge [sflag:s19], $0x4000  }
0x79: {  	s16 =	simm.s32 @!p0 $0x0;
	s22 =	sshll.u32 @!p0 s28, $0xC;
	[sflag:s19] =	ssyncset.done $0x0  }
0x7a: {  	s29 =	sshll.u32 @!p0 s28, $0x6;
	s22 =	sadd.s32 @!p0 s6, s22;
	[sflag:s19] =	ssyncadd.s32 $0xFFFFC000  }
0x7b: {  	s29 =	sand.u32 @!p0 $0x40, s29;
	s22 =	sand.u32 @!p0 $0x7FE000, s22;
	_ =	swait.ge [sflag:s20], $0x4000  }
0x7c: {  	s30 =	simm.s32 @!p0 $0x200;
	s22 =	sor.u32 @!p0 s29, s22;
	[sflag:s20] =	ssyncset.done $0x0  }
0x7d: {  	s31 =	simm.s32 @!p0 $0x400;
	s29 =	sadd.s32 @!p0 s1, s22;
	[sflag:s20] =	ssyncadd.s32 $0xFFFFC000  }
0x7e: {  	[tilespmem:s16], [sflag:$0x1] =	stream.strided.gather @!p0 [hbm4b:s29+s30], $0x4000, s31, s30, $0x38;
	[tilespmem:$0x18000] =	vst v63  }
0x7f: {  	p1 =	seq.s32 @!p0 s26, $0x0;
	s16 =	sadd.s32 @!p0 s5, s22;
	s22 =	simm.s32 @!p0 $0x8000  }
0x80: {  	[tilespmem:s22], [sflag:$0x3] =	stream.strided.gather @!p0 [hbm4b:s16+s30], $0x4000, s31, s30, $0x38;
	[tilespmem:$0x18000] =	vst v63  }
0x81: {  	s4 =	sadd.f32 s4, s3;
	p0 =	por p0, !p1  }
0x82: {  	s29 =	sadd.f32 s13, s7;
	s13 =	simm.s32 $0x0;
	_ =	swait.ge @p0 [sflag:s23], $0x4000  }
0x83: {  	s3 =	sand.u32 $0x3E00, s13;
	s16 =	sand.u32 $0x70, s13;
	[sflag:s23] =	ssyncset.done @p0 $0x0  }
0x84: {  	s3 =	sor.u32 s16, s3;
	[sflag:s23] =	ssyncadd.s32 @p0 $0xFFFFC000  }
0x85: {  	v0 =	vld [tilespmem:s3+$0x4180]  }
0x86: {  	v1 =	vld [tilespmem:s3+$0xC180];
	_ =	sdelay $0x4  }
0x87: {  	v0 =	vmul.f32 v1, v0  }
0x88: {  	v1 =	vld [tilespmem:s3+$0x4000]  }
0x89: {  	(xrf2) =	vadd.scan.msk.f32 $0xffff, v0;
	v0 =	vld [tilespmem:s3+$0xC000];
	_ =	sdelay $0x1  }
0x8a: {  	v2 =	vld [tilespmem:s3+$0x4080]  }
0x8b: {  	s26 =	sadd.f32 s24, s8;
	s24 =	simm.s32 $0x40;
	s22 =	simm.s32 $0x10;
	v3 =	vld [tilespmem:s3+$0xC080]  }
0x8c: {  	s8 =	sand.u32 $0x3E00, s24;
	s7 =	sand.u32 $0x70, s22;
	v4 =	vld [tilespmem:s3+$0x4100]  }
0x8d: {  	s30 =	sor.u32 s7, s8;
	v5 =	vld [tilespmem:s3+$0xC100];
	v0 =	vmul.f32 v0, v1  }
0x8e: {  	s0 =	sadd.f32 s10, s0;
	s10 =	simm.s32 $0x20;
	s13 =	simm.s32 $0x80;
	v6 =	vld [tilespmem:s30+$0x4180]  }
0x8f: {  	s7 =	sand.u32 $0x70, s10;
	s8 =	sand.u32 $0x3E00, s13;
	v7 =	vld [tilespmem:s30+$0xC180];
	(xrf2) =	vadd.scan.msk.f32 $0xffff, v0  }
0x90: {  	s31 =	sor.u32 s7, s8;
	v59 =	vld [tilespmem:s30+$0x4000];
	v2 =	vmul.f32 v3, v2  }
0x91: {  	v61 =	vld [tilespmem:s31+$0xC000]  }
0x92: {  	v1 =	vld [tilespmem:s30+$0xC000];
	(xrf2) =	vadd.scan.msk.f32 $0xffff, v2  }
0x93: {  	v3 =	vld [tilespmem:s30+$0x4080];
	v0 =	vmul.f32 v5, v4  }
0x94: {  	v5 =	vld [tilespmem:s30+$0xC100];
	v60, _, _ =	vpop (xrf2)  }
0x95: {  	v4 =	vmul.f32 v7, v6;
	v7 =	vld [tilespmem:s31+$0x4000];
	(xrf2) =	vadd.scan.msk.f32 $0xffff, v0;
	(v2sf) =	vpush v60, $0xF;
	v6 =	vadd.f32 s4, v60  }
0x96: {  	v2 =	vld [tilespmem:s30+$0xC080]  }
0x97: {  	v0 =	vld [tilespmem:s30+$0x4100];
	v1 =	vmul.f32 v1, v59  }
0x98: {  	(xrf2) =	vadd.scan.msk.f32 $0xffff, v4;
	v4 =	vld [tilespmem:s31+$0xC180]  }
0x99: {  	(xrf2) =	vadd.scan.msk.f32 $0xffff, v1;
	v1 =	vld [tilespmem:s31+$0x4180];
	[tilespmem:s3+$0x14180] =	vst v6;
	v6, _, _ =	vpop (xrf2)  }
0x9a: {  	(v2sf) =	vpush v6, $0xF;
	_ =	sdelay $0x1  }
0x9b: {  	v2 =	vmul.f32 v2, v3;
	v3 =	vadd.f32 s0, v6;
	v6, _, _ =	vpop (xrf2)  }
0x9c: {  	(v2sf) =	vpush v6, $0xF  }
0x9d: {  	(xrf2) =	vadd.scan.msk.f32 $0xffff, v2  }
0x9e: {  	v5 =	vmul.f32 v5, v0;
	v1 =	vmul.f32 v4, v1;
	v11, _, _ =	vpop (xrf2)  }
0x9f: {  	v62 =	vld [tilespmem:s31+$0x4080];
	(v2sf) =	vpush v11, $0xF  }
0xa0: {  	v63 =	vld [tilespmem:s31+$0xC080];
	(xrf2) =	vadd.scan.msk.f32 $0xffff, v5  }
0xa1: {  	v0 =	vld [tilespmem:s31+$0x4100];
	[tilespmem:s3+$0x14000] =	vst v3;
	v2, _, _ =	vpop (xrf2)  }
0xa2: {  	(xrf2) =	vadd.scan.msk.f32 $0xffff, v1;
	v3 =	vld [tilespmem:s31+$0xC100];
	(v2sf) =	vpush v2, $0xF;
	v1, _, _ =	vpop (xrf2)  }
0xa3: {  	s24 =	spop (v2sf);
	(v2sf) =	vpush v1, $0xF  }
0xa4: {  	s16 =	simm.s32 $0x30;
	s8 =	simm.s32 $0xC0;
	v4 =	vadd.f32 s29, v6;
	v6 =	vmul.f32 v61, v7  }
0xa5: {  	s7 =	sand.u32 $0x70, s16;
	s22 =	sand.u32 $0x3E00, s8;
	v5 =	vadd.f32 s26, v11  }
0xa6: {  	s10 =	simm.s32 $0x40;
	s7 =	sor.u32 s7, s22;
	[tilespmem:s3+$0x14080] =	vst v4;
	v4 =	vmul.f32 v63, v62;
	(xrf2) =	vadd.scan.msk.f32 $0xffff, v6;
	s4 =	sadd.f32 s24, s4  }
.LBB2_5:
0xa7: {  	p0 =	sne.s32 s10, $0xFF0;
	v6 =	vld [tilespmem:s7+$0x4180];
	v0 =	vmul.f32 v3, v0;
	v7, _, _ =	vpop (xrf2);
	[tilespmem:s3+$0x14100] =	vst v5;
	s3 =	smov.u32 s30;
	s30 =	smov.u32 s31  }
0xa8: {  	s31 =	smov.u32 s7;
	v3 =	vld [tilespmem:s7+$0xC180];
	v2 =	vadd.f32 s4, v2;
	(v2sf) =	vpush v7, $0xF;
	s13 =	spop (v2sf)  }
0xa9: {  	v5 =	vld [tilespmem:s31+$0x4000];
	(xrf2) =	vadd.scan.msk.f32 $0xffff, v4;
	s0 =	sadd.f32 s13, s0  }
0xaa: {  	v4 =	vld [tilespmem:s31+$0xC000];
	[tilespmem:s3+$0x14180] =	vst v2;
	v8, _, _ =	vpop (xrf2)  }
0xab: {  	v9 =	vld [tilespmem:s31+$0x4080];
	v1 =	vadd.f32 s0, v1;
	(v2sf) =	vpush v8, $0xF;
	s7 =	spop (v2sf)  }
0xac: {  	v10 =	vld [tilespmem:s31+$0xC080];
	(xrf2) =	vadd.scan.msk.f32 $0xffff, v0;
	s29 =	sadd.f32 s7, s29  }
0xad: {  	v0 =	vld [tilespmem:s31+$0x4100];
	v6 =	vmul.f32 v3, v6;
	v2, _, _ =	vpop (xrf2);
	[tilespmem:s3+$0x14000] =	vst v1  }
.Ltmp1:
0xae: {  	v3 =	vld [tilespmem:s31+$0xC100];
	(v2sf) =	vpush v2, $0xF;
	v7 =	vadd.f32 s29, v7;
	s7 =	spop (v2sf);
	(pc) =	sbr.rel @p0 .LBB2_5-.Ltmp1, $4  }
0xaf: {  	v11 =	vmul.f32 v4, v5;
	(xrf2) =	vadd.scan.msk.f32 $0xffff, v6;
	s26 =	sadd.f32 s7, s26  }
0xb0: {  	s8 =	sadd.s32 $0x40, s8;
	v1, _, _ =	vpop (xrf2);
	[tilespmem:s3+$0x14080] =	vst v7  }
0xb1: {  	s13 =	sand.u32 $0x3E00, s8;
	s7 =	sand.u32 $0x70, s10;
	v4 =	vmul.f32 v10, v9;
	(v2sf) =	vpush v1, $0xF;
	v5 =	vadd.f32 s26, v8;
	s16 =	spop (v2sf)  }
0xb2: {  	s10 =	sadd.s32 $0x10, s10;
	s7 =	sor.u32 s7, s13;
	(xrf2) =	vadd.scan.msk.f32 $0xffff, v11;
	s4 =	sadd.f32 s16, s4  }
0xb3: {  	v6 =	vld [tilespmem:s7+$0x4180];
	[tilespmem:s3+$0x14100] =	vst v5  }
0xb4: {  	s13 =	spop (v2sf);
	v5 =	vld [tilespmem:s7+$0xC180];
	v2 =	vadd.f32 s4, v2  }
0xb5: {  	v7 =	vld [tilespmem:s7+$0x4000];
	s0 =	sadd.f32 s13, s0  }
0xb6: {  	v0 =	vmul.f32 v3, v0;
	v8 =	vld [tilespmem:s7+$0xC000];
	[tilespmem:s30+$0x14180] =	vst v2  }
0xb7: {  	(xrf2) =	vadd.scan.msk.f32 $0xffff, v4;
	v1 =	vadd.f32 s0, v1;
	v2 =	vld [tilespmem:s7+$0x4080]  }
0xb8: {  	(xrf2) =	vadd.scan.msk.f32 $0xffff, v0;
	v44 =	vld [tilespmem:s7+$0xC080]  }
0xb9: {  	v45 =	vld [tilespmem:s7+$0x4100];
	[tilespmem:s30+$0x14000] =	vst v1  }
0xba: {  	v46 =	vld [tilespmem:s7+$0xC100]  }
0xbb: {  	v47 =	vmul.f32 v5, v6;
	_ =	sdelay $0x1  }
0xbc: {  	v49, _, _ =	vpop (xrf2);
	v48 =	vmul.f32 v8, v7;
	(xrf2) =	vadd.scan.msk.f32 $0xffff, v47  }
0xbd: {  	(v2sf) =	vpush v49, $0xF;
	v50, _, _ =	vpop (xrf2);
	v2 =	vmul.f32 v44, v2  }
0xbe: {  	(v2sf) =	vpush v50, $0xF;
	v51, _, _ =	vpop (xrf2);
	(xrf2) =	vadd.scan.msk.f32 $0xffff, v48;
	v0 =	vmul.f32 v46, v45  }
0xbf: {  	(v2sf) =	vpush v51, $0xF;
	v52, _, _ =	vpop (xrf2);
	(xrf2) =	vadd.scan.msk.f32 $0xffff, v2  }
0xc0: {  	v53, _, _ =	vpop (xrf2);
	(v2sf) =	vpush v52, $0xF;
	(xrf2) =	vadd.scan.msk.f32 $0xffff, v0  }
0xc1: {  	(v2sf) =	vpush v53, $0xF;
	v54, _, _ =	vpop (xrf2)  }
0xc2: {  	(v2sf) =	vpush v54, $0xF;
	_ =	sdelay $0x3  }
0xc3: {  	v55, _, _ =	vpop (xrf2)  }
0xc4: {  	(v2sf) =	vpush v55, $0xF  }
0xc5: {  	s16 =	spop (v2sf);
	v56, _, _ =	vpop (xrf2)  }
0xc6: {  	s3 =	sadd.f32 s16, s29;
	s8 =	spop (v2sf);
	(v2sf) =	vpush v56, $0xF;
	v57, _, _ =	vpop (xrf2)  }
0xc7: {  	s8 =	sadd.f32 s8, s26;
	s10 =	spop (v2sf);
	(v2sf) =	vpush v57, $0xF;
	v9, _, _ =	vpop (xrf2)  }
0xc8: {  	v1 =	vadd.f32 s3, v49;
	s22 =	sadd.f32 s10, s4;
	s24 =	spop (v2sf);
	(v2sf) =	vpush v9, $0xF  }
0xc9: {  	v3 =	vadd.f32 s8, v50;
	s0 =	sadd.f32 s24, s0;
	s26 =	spop (v2sf)  }
0xca: {  	[tilespmem:s30+$0x14080] =	vst v1;
	v58 =	vadd.f32 s22, v51;
	s3 =	sadd.f32 s26, s3;
	s29 =	spop (v2sf)  }
0xcb: {  	[tilespmem:s30+$0x14100] =	vst v3;
	v2 =	vadd.f32 s0, v52;
	s8 =	sadd.f32 s29, s8;
	s13 =	spop (v2sf)  }
0xcc: {  	[tilespmem:s31+$0x14180] =	vst v58;
	v0 =	vadd.f32 s3, v53;
	s4 =	sadd.f32 s13, s22;
	s30 =	spop (v2sf)  }
0xcd: {  	[tilespmem:s31+$0x14000] =	vst v2;
	v59 =	vadd.f32 s8, v54;
	s0 =	sadd.f32 s30, s0;
	s16 =	spop (v2sf)  }
0xce: {  	[tilespmem:s31+$0x14080] =	vst v0;
	v60 =	vadd.f32 s4, v55;
	s3 =	sadd.f32 s16, s3;
	s22 =	spop (v2sf)  }
0xcf: {  	[tilespmem:s31+$0x14100] =	vst v59;
	v61 =	vadd.f32 s0, v56;
	s24 =	sadd.f32 s22, s8  }
0xd0: {  	[tilespmem:s7+$0x14180] =	vst v60;
	v62 =	vadd.f32 s3, v57  }
0xd1: {  	[tilespmem:s7+$0x14000] =	vst v61;
	v63 =	vadd.f32 s24, v9  }
0xd2: {  	p0 =	sne.s32 s28, $0x20;
	[tilespmem:s7+$0x14080] =	vst v62  }
.Ltmp2:
0xd3: {  	s0 =	sadd.s32 s2, s25;
	[tilespmem:s7+$0x14100] =	vst v63;
	s26 =	spop (v2sf);
	(pc) =	sbr.rel @p0 .LBB2_2-.Ltmp2, $4  }
0xd4: {  	[hbm4b:s0+s11] =	stream.strided.scatter [tilespmem:s21], [sflag:$0x6], $0x4000, s12, s11, $0x38;
	[tilespmem:$0x18000] =	vst v63  }
0xd5: {  	s29 =	spop (v2sf)  }
0xd6: {  	s30 =	spop (v2sf)  }
0xd7: {  	s26 =	smov.u32 s28;
	s31 =	spop (v2sf)  }
0xd8: {  	s0 =	simm.s32 $0x5  }
0xd9: {  	_ =	swait.ge [sflag:s0], $0x4000  }
0xda: {  	[sflag:s0] =	ssyncset.done $0x0  }
0xdb: {  	[sflag:s0] =	ssyncadd.s32 $0xFFFFC000  }
0xdc: {  	_ =	swait.ge [sflag:s23], $0x4000  }
0xdd: {  	s3 =	rddreg [dreg:$0x7]  }
0xde: {  	s31 =	rddreg [dreg:$0x6];
	s3 =	sadd.s32 $0x1, s3  }
0xdf: {  	p0 =	sne.s32 s3, s31  }
.Ltmp3:
0xe0: {  	_ = 	snop;
	(pc) =	sbr.rel @p0 .LBB2_1-.Ltmp3, $3  }
0xe1: {  	_ =	sdelay $0x1  }
0xe2: {  	[sflag:s23] =	ssyncset.done $0x0  }
0xe3: {  	[sflag:s23] =	ssyncadd.s32 $0xFFFFC000  }
0xe4: {  	_ =	sfence.sel $0x180000  }
0xe5: {  	[bflag:$0x0] =	sbarrier.arrive $0xFFFF  }
0xe6: {  	_ =	strace $0x90000047  }
0xe7: {  	s0 =	stileid.u32;
	[bflag:$0x2] =	sbarrier.arrive $0xFFFF  }
0xe8: {  	p0 =	sne.s32 s0, $0x0;
	s0 =	rddreg [dreg:$0x3]  }
0xe9: {  	s0 =	sadd.s32 @!p0 $0x100000, s0  }
0xea: {  	[sflag:s0] =	ssyncadd.tile.s32 @!p0 $0x1;
	_ =	shalt  }
.Lfunc_end2:
_tile_overlayer_lowered:
.L_overlay_start_2:
0xeb: {  	(tag) =	ssettag $0x2  }
0xec: {  	s0 =	rddreg [dreg:$0x0];
	s2 =	stileid.u32  }
0xed: {  	s1 =	rddreg [dreg:$0x1];
	p0 =	sne.s32 s2, $0x0  }
0xee: {  	s3 =	rddreg [dreg:$0x2];
	[bflag:$0x3] =	sbarrier.arrive $0xFFFF;
	s2 =	simm.s32 @!p0 $0x1C07  }
0xef: {  	[timem:s3], [sflag:s2] =	dma.local @!p0 [hbm:s0], s1  }
0xf0: {  	s0 =	simm.s32 @!p0 $0x7  }
0xf1: {  	_ =	swait.ge @!p0 [sflag:s0], s1  }
0xf2: {  	s1 =	ssub.s32 @!p0 $0x0, s1;
	[sflag:s0] =	ssyncset.done @!p0 $0x0  }
0xf3: {  	[sflag:s0] =	ssyncadd.s32 @!p0 s1  }
0xf4: {  	[bflag:$0x3] =	sbarrier.arrive $0xFFFF  }
0xf5: {  	_ =	shalt  }

</sc_bundles>
